<compile_context>
chip_gen: v7x
topology: tpu7x:2x2x1
jax: 0.10.2.dev20260603
libtpu: 0.0.44.dev20260713+nightly
codegen_flags: <defaults>
</compile_context>

<pallas_src>
import functools

import jax
import jax.numpy as jnp
from jax import lax
from jax.experimental import pallas as pl
from jax.experimental.pallas import tpu as pltpu
from jax.experimental.pallas import tpu_sc as plsc

N_NODES = 10000
N_EDGES = 320000
D_IN = 128
D_HID = 128
D_OUT = 40
D_PAD = 48

NC = 2
NS = 16
NW = NC * NS
BATCH = 125
NB = 80
N_ACC = N_NODES
ROWS_PT = N_NODES // NS

_MESH = dict(core_axis_name="c", subcore_axis_name="s")


def _prop_body(D, wave, idxc, src_hbm, dst_hbm, xs_hbm, z_hbm, out_hbm,
               idx_s, idx_d, rows_v, acc_sh, sem, gsems):
    c = lax.axis_index("c")
    s = lax.axis_index("s")
    wid = c * NS + s
    pltpu.sync_copy(z_hbm.at[pl.ds(s * ROWS_PT, ROWS_PT)],
                    acc_sh.at[pl.ds(s * ROWS_PT, ROWS_PT)])
    plsc.subcore_barrier()

    def chunk(k, carry):
        base = wid * NB + k * idxc
        pltpu.sync_copy(src_hbm.at[pl.ds(base, idxc)], idx_s)
        pltpu.sync_copy(dst_hbm.at[pl.ds(base, idxc)], idx_d)

        def step(i, carry2):
            j0 = i * wave
            gathers = [
                pltpu.async_copy(xs_hbm.at[idx_s.at[j0 + w]], rows_v.at[w],
                                 gsems.at[w])
                for w in range(wave)
            ]
            for w in range(wave):
                gathers[w].wait()
                pltpu.sync_copy(rows_v.at[w], acc_sh.at[idx_d.at[j0 + w]],
                                add=True)
            return carry2

        return lax.fori_loop(0, idxc // wave, step, carry)

    lax.fori_loop(0, NB // idxc, chunk, 0)
    plsc.subcore_barrier()
    pltpu.sync_copy(acc_sh.at[pl.ds(s * ROWS_PT, ROWS_PT)],
                    out_hbm.at[pl.ds(c * N_NODES + s * ROWS_PT, ROWS_PT)])


_SC_PARAMS = pltpu.CompilerParams(use_tc_tiling_on_sc=False)


@functools.lru_cache(maxsize=None)
def _make_prop(D, wave, idxc):
    return pl.kernel(
        functools.partial(_prop_body, D, wave, idxc),
        out_type=jax.ShapeDtypeStruct((NC * N_NODES, D), jnp.float32),
        mesh=plsc.VectorSubcoreMesh(**_MESH),
        compiler_params=_SC_PARAMS,
        scratch_types=[
            pltpu.VMEM((idxc, BATCH), jnp.int32),
            pltpu.VMEM((idxc, BATCH), jnp.int32),
            pltpu.VMEM((wave, BATCH, D), jnp.float32),
            pltpu.VMEM_SHARED((N_ACC, D), jnp.float32),
            pltpu.SemaphoreType.DMA,
            pltpu.SemaphoreType.DMA((wave,)),
        ],
    )


def _deg_body(dst_hbm, ones_hbm, z_hbm, out_hbm, idx_d, ones_v, acc_sh, sem):
    c = lax.axis_index("c")
    s = lax.axis_index("s")
    wid = c * NS + s
    pltpu.sync_copy(z_hbm.at[pl.ds(s * ROWS_PT, ROWS_PT)],
                    acc_sh.at[pl.ds(s * ROWS_PT, ROWS_PT)])
    pltpu.sync_copy(ones_hbm, ones_v)
    pltpu.sync_copy(dst_hbm.at[pl.ds(wid * NB, NB)], idx_d)
    plsc.subcore_barrier()

    def step(j, carry):
        pltpu.sync_copy(ones_v, acc_sh.at[idx_d.at[j]], add=True)
        return carry

    lax.fori_loop(0, NB, step, 0)
    plsc.subcore_barrier()
    pltpu.sync_copy(acc_sh.at[pl.ds(s * ROWS_PT, ROWS_PT)],
                    out_hbm.at[pl.ds(c * N_NODES + s * ROWS_PT, ROWS_PT)])


@functools.lru_cache(maxsize=None)
def _make_deg_kernel():
    return pl.kernel(
        _deg_body,
        out_type=jax.ShapeDtypeStruct((NC * N_NODES, 16), jnp.float32),
        mesh=plsc.VectorSubcoreMesh(**_MESH),
        compiler_params=_SC_PARAMS,
        scratch_types=[
            pltpu.VMEM((NB, BATCH), jnp.int32),
            pltpu.VMEM((BATCH, 16), jnp.float32),
            pltpu.VMEM_SHARED((N_ACC, 16), jnp.float32),
            pltpu.SemaphoreType.DMA,
        ],
    )



BM = 1000


def _dinv_of(d0, d1):
    cnt = d0[:, 0:1] + d1[:, 0:1]
    return lax.rsqrt(cnt + 1.0)


def _tc1_body(x, w1, d0, d1, xs_out):
    dinv = _dinv_of(d0, d1)
    xs_out[...] = jnp.dot(x[...], w1[...],
                          preferred_element_type=jnp.float32) * dinv


def _tc2_body(a0, a1, xs, d0, d1, b1, w2, h_out, ys_out):
    dinv = _dinv_of(d0, d1)
    h = (a0[...] + a1[...] + xs[...]) * dinv + b1[...]
    h_out[...] = h
    y = jnp.maximum(h, 0.0)
    ys_out[...] = jnp.dot(y, w2[...],
                          preferred_element_type=jnp.float32) * dinv


def _tc3_body(a0, a1, ys, d0, d1, b2, logp_out):
    dinv = _dinv_of(d0, d1)
    o = ((a0[...] + a1[...] + ys[...]) * dinv)[:, :D_OUT] + b2[...]
    m = jnp.max(o, axis=1, keepdims=True)
    e = jnp.exp(o - m)
    lse = jnp.log(jnp.sum(e, axis=1, keepdims=True))
    logp_out[...] = o - m - lse


def _row_spec(d):
    return pl.BlockSpec((BM, d), lambda i: (i, 0))


def _half_spec(d, half):
    return pl.BlockSpec((BM, d), lambda i, h=half: (i + h * _GRID, 0))


def _full_spec(r, c):
    return pl.BlockSpec((r, c), lambda i: (0, 0))


_GRID = N_NODES // BM

_tc1 = pl.pallas_call(
    _tc1_body,
    grid=(_GRID,),
    in_specs=[_row_spec(D_IN), _full_spec(D_IN, D_HID),
              _half_spec(16, 0), _half_spec(16, 1)],
    out_specs=_row_spec(D_HID),
    out_shape=jax.ShapeDtypeStruct((N_NODES, D_HID), jnp.float32),
)

_tc2 = pl.pallas_call(
    _tc2_body,
    grid=(_GRID,),
    in_specs=[_half_spec(D_HID, 0), _half_spec(D_HID, 1), _row_spec(D_HID),
              _half_spec(16, 0), _half_spec(16, 1),
              _full_spec(1, D_HID), _full_spec(D_HID, D_PAD)],
    out_specs=[_row_spec(D_HID), _row_spec(D_PAD)],
    out_shape=[jax.ShapeDtypeStruct((N_NODES, D_HID), jnp.float32),
               jax.ShapeDtypeStruct((N_NODES, D_PAD), jnp.float32)],
)

_tc3 = pl.pallas_call(
    _tc3_body,
    grid=(_GRID,),
    in_specs=[_half_spec(D_PAD, 0), _half_spec(D_PAD, 1), _row_spec(D_PAD),
              _half_spec(16, 0), _half_spec(16, 1), _full_spec(1, D_OUT)],
    out_specs=_row_spec(D_OUT),
    out_shape=jax.ShapeDtypeStruct((N_NODES, D_OUT), jnp.float32),
)


def kernel(x, edge_index, W1, b1, W2, b2):
    src = edge_index[0].astype(jnp.int32)
    dst = edge_index[1].astype(jnp.int32)
    src3 = src.reshape(NW * NB, BATCH)
    dst3 = dst.reshape(NW * NB, BATCH)

    z128 = jnp.zeros((N_NODES, D_HID), jnp.float32)
    z48 = jnp.zeros((N_NODES, D_PAD), jnp.float32)
    z16 = jnp.zeros((N_NODES, 16), jnp.float32)
    ones = jnp.ones((BATCH, 16), jnp.float32)

    deg = _make_deg_kernel()(dst3, ones, z16)

    xs = _tc1(x, W1, deg, deg)

    acc1 = _make_prop(D_HID, 2, 40)(src3, dst3, xs, z128)

    W2p = jnp.zeros((D_HID, D_PAD), jnp.float32).at[:, :D_OUT].set(W2)
    h, ys = _tc2(acc1, acc1, xs, deg, deg, b1.reshape(1, D_HID), W2p)

    acc2 = _make_prop(D_PAD, 4, 80)(src3, dst3, ys, z48)

    logp = _tc3(acc2, acc2, ys, deg, deg, b2.reshape(1, D_OUT))
    return (h, logp)

# --- scband reference (transcript-rebuilt; emitter-appended) ---
"""Pipeline reference for scband-net-37005438222412 (READ-ONLY COPY).

The authoritative reference and input builder live on the scoring server;
editing this copy changes nothing except your own understanding.
"""

import jax, jax.numpy as jnp
import numpy as np

N_NODES = 10000
N_EDGES = 320000
D_IN = 128
D_HID = 128
D_OUT = 40


def _gcn_conv(x, src, dst, W, b, num_nodes):
    # PyG GCNConv: x' = D^{-1/2} (A + I) D^{-1/2} X W + b
    xw = x @ W
    deg = jax.ops.segment_sum(jnp.ones_like(dst, dtype=xw.dtype), dst, num_segments=num_nodes)
    dinv = jnp.where(deg > 0, 1.0 / jnp.sqrt(deg), 0.0)
    norm = dinv[src] * dinv[dst]
    msg = xw[src] * norm[:, None]
    out = jax.ops.segment_sum(msg, dst, num_segments=num_nodes)
    return out + b


def setup_inputs(seed: int = 0) -> dict:
    key = jax.random.key(seed)
    k1, k2, k3, k4 = jax.random.split(key, 4)
    x = jax.random.normal(k1, (N_NODES, D_IN), dtype=jnp.float32)
    edge_index = jax.random.randint(k2, (2, N_EDGES), 0, N_NODES, dtype=jnp.int64)
    s1 = (2.0 / (D_IN + D_HID)) ** 0.5
    s2 = (2.0 / (D_HID + D_OUT)) ** 0.5
    W1 = jax.random.normal(k3, (D_IN, D_HID), dtype=jnp.float32) * s1
    b1 = jnp.zeros((D_HID,), dtype=jnp.float32)
    W2 = jax.random.normal(k4, (D_HID, D_OUT), dtype=jnp.float32) * s2
    b2 = jnp.zeros((D_OUT,), dtype=jnp.float32)
    return {"x": x, "edge_index": edge_index, "W1": W1, "b1": b1, "W2": W2, "b2": b2}


def reference(x, edge_index, W1, b1, W2, b2):
    num_nodes = x.shape[0]
    loops = jnp.arange(num_nodes, dtype=edge_index.dtype)
    src = jnp.concatenate([edge_index[0], loops])
    dst = jnp.concatenate([edge_index[1], loops])
    h = _gcn_conv(x, src, dst, W1, b1, num_nodes)
    out = jax.nn.relu(h)
    out = _gcn_conv(out, src, dst, W2, b2, num_nodes)
    logp = jax.nn.log_softmax(out, axis=1)
    return (h, logp)

if __name__ == "__main__":
    import jax
    _d = setup_inputs()
    print(jax.jit(kernel)(*tuple(_d.values())))

</pallas_src>

<mosaic_0001>
#map = affine_map<(d0, d1) -> (0, 0)>
module attributes {stable_mosaic.version = 14 : i64} {
  func.func @_prop_body(%arg0: i32, %arg1: i32, %arg2: memref<2560x125xi32, #tpu.memory_space<hbm>>, %arg3: memref<2560x125xi32, #tpu.memory_space<hbm>>, %arg4: memref<10000x128xf32, #tpu.memory_space<hbm>>, %arg5: memref<10000x128xf32, #tpu.memory_space<hbm>>, %arg6: memref<20000x128xf32, #tpu.memory_space<hbm>>, %arg7: memref<40x125xi32, #tpu.memory_space<vmem>>, %arg8: memref<40x125xi32, #tpu.memory_space<vmem>>, %arg9: memref<2x125x128xf32, #tpu.memory_space<vmem>>, %arg10: memref<10000x128xf32, #tpu.memory_space<vmem_shared>>, %arg11: memref<!tpu.dma_semaphore, #tpu.memory_space<semaphore_mem>>, %arg12: memref<2x!tpu.dma_semaphore, #tpu.memory_space<semaphore_mem>>) attributes {dimension_semantics = [#tpu.dimension_semantics<core_parallel>, #tpu.dimension_semantics<subcore_parallel>], iteration_bounds = array<i64: 2, 16>, scalar_prefetch = 0 : i64, scratch_operands = 6 : i64, tpu.core_type = #tpu.core_type<sc_vector_subcore>, window_params = [{transform_indices = #map}, {transform_indices = #map}, {transform_indices = #map}, {transform_indices = #map}, {transform_indices = #map}]} {
    %mul3A = arith.constant 16 : i32
    %mul3A_0 = arith.muli %arg0, %mul3A : i32
    %add3A = arith.addi %mul3A_0, %arg1 : i32
    %mul3A_1 = arith.constant 625 : i32
    %mul3A_2 = arith.muli %arg1, %mul3A_1 : i32
    %mul3A_3 = arith.constant 625 : i32
    %mul3A_4 = arith.muli %arg1, %mul3A_3 : i32
    "tpu.region"() ({
      %run_scoped3A = tpu.sem_alloc : memref<!tpu.dma_semaphore, #tpu.memory_space<semaphore_mem>>
      %dma_start3A = arith.constant 0 : i32
      %dma_start3A_18 = tpu.memref_slice %arg10[%mul3A_4, %dma_start3A] : memref<10000x128xf32, #tpu.memory_space<vmem_shared>> -> memref<625x128xf32, #tpu.memory_space<vmem_shared>>
      %dma_start3A_19 = arith.constant 0 : i32
      %dma_start3A_20 = tpu.memref_slice %arg5[%mul3A_2, %dma_start3A_19] : memref<10000x128xf32, #tpu.memory_space<hbm>> -> memref<625x128xf32, #tpu.memory_space<hbm>>
      tpu.enqueue_dma source(%dma_start3A_20 : memref<625x128xf32, #tpu.memory_space<hbm>>) target(%dma_start3A_18 : memref<625x128xf32, #tpu.memory_space<vmem_shared>>) target_semaphore(%run_scoped3A : memref<!tpu.dma_semaphore, #tpu.memory_space<semaphore_mem>>)
      %dma_wait3A = arith.constant 0 : i32
      %dma_wait3A_21 = tpu.memref_slice %arg10[%mul3A_4, %dma_wait3A] : memref<10000x128xf32, #tpu.memory_space<vmem_shared>> -> memref<625x128xf32, #tpu.memory_space<vmem_shared>>
      %dma_wait3A_22 = arith.constant 0 : i32
      %dma_wait3A_23 = tpu.memref_slice %arg5[%mul3A_2, %dma_wait3A_22] : memref<10000x128xf32, #tpu.memory_space<hbm>> -> memref<625x128xf32, #tpu.memory_space<hbm>>
      tpu.wait_dma2 semaphore(%run_scoped3A : memref<!tpu.dma_semaphore, #tpu.memory_space<semaphore_mem>>) src(%dma_wait3A_23 : memref<625x128xf32, #tpu.memory_space<hbm>>) dst(%dma_wait3A_21 : memref<625x128xf32, #tpu.memory_space<vmem_shared>>)
      tpu.yield
    }) : () -> ()
    %barrier3A = arith.constant 0 : index
    tpu.barrier barrier_id(%barrier3A)
    %scan3A = arith.constant 0 : i32
    %scan3A_5 = arith.constant 0 : i32
    %scan3A_6 = arith.constant 2 : i32
    %scan3A_7 = arith.addi %scan3A_5, %scan3A_6 : i32
    %scan3A_8 = arith.constant 1 : i32
    scf.for %scan3A_18 = %scan3A_5 to %scan3A_7 step %scan3A_8  : i32 {
      %mul3A_19 = arith.constant 80 : i32
      %mul3A_20 = arith.muli %add3A, %mul3A_19 : i32
      %mul3A_21 = arith.constant 40 : i32
      %mul3A_22 = arith.muli %scan3A_18, %mul3A_21 : i32
      %add3A_23 = arith.addi %mul3A_20, %mul3A_22 : i32
      "tpu.region"() ({
        %run_scoped3A = tpu.sem_alloc : memref<!tpu.dma_semaphore, #tpu.memory_space<semaphore_mem>>
        %dma_start3A = arith.constant 0 : i32
        %dma_start3A_29 = tpu.memref_slice %arg2[%add3A_23, %dma_start3A] : memref<2560x125xi32, #tpu.memory_space<hbm>> -> memref<40x125xi32, #tpu.memory_space<hbm>>
        %dma_start3A_30 = arith.constant 0 : i32
        %dma_start3A_31 = tpu.memref_slice %arg2[%add3A_23, %dma_start3A_30] : memref<2560x125xi32, #tpu.memory_space<hbm>> -> memref<40x125xi32, #tpu.memory_space<hbm>>
        tpu.enqueue_dma source(%dma_start3A_31 : memref<40x125xi32, #tpu.memory_space<hbm>>) target(%arg7 : memref<40x125xi32, #tpu.memory_space<vmem>>) target_semaphore(%run_scoped3A : memref<!tpu.dma_semaphore, #tpu.memory_space<semaphore_mem>>)
        %dma_wait3A = arith.constant 0 : i32
        %dma_wait3A_32 = tpu.memref_slice %arg2[%add3A_23, %dma_wait3A] : memref<2560x125xi32, #tpu.memory_space<hbm>> -> memref<40x125xi32, #tpu.memory_space<hbm>>
        %dma_wait3A_33 = arith.constant 0 : i32
        %dma_wait3A_34 = tpu.memref_slice %arg2[%add3A_23, %dma_wait3A_33] : memref<2560x125xi32, #tpu.memory_space<hbm>> -> memref<40x125xi32, #tpu.memory_space<hbm>>
        tpu.wait_dma2 semaphore(%run_scoped3A : memref<!tpu.dma_semaphore, #tpu.memory_space<semaphore_mem>>) src(%dma_wait3A_34 : memref<40x125xi32, #tpu.memory_space<hbm>>) dst(%arg7 : memref<40x125xi32, #tpu.memory_space<vmem>>)
        tpu.yield
      }) : () -> ()
      "tpu.region"() ({
        %run_scoped3A = tpu.sem_alloc : memref<!tpu.dma_semaphore, #tpu.memory_space<semaphore_mem>>
        %dma_start3A = arith.constant 0 : i32
        %dma_start3A_29 = tpu.memref_slice %arg3[%add3A_23, %dma_start3A] : memref<2560x125xi32, #tpu.memory_space<hbm>> -> memref<40x125xi32, #tpu.memory_space<hbm>>
        %dma_start3A_30 = arith.constant 0 : i32
        %dma_start3A_31 = tpu.memref_slice %arg3[%add3A_23, %dma_start3A_30] : memref<2560x125xi32, #tpu.memory_space<hbm>> -> memref<40x125xi32, #tpu.memory_space<hbm>>
        tpu.enqueue_dma source(%dma_start3A_31 : memref<40x125xi32, #tpu.memory_space<hbm>>) target(%arg8 : memref<40x125xi32, #tpu.memory_space<vmem>>) target_semaphore(%run_scoped3A : memref<!tpu.dma_semaphore, #tpu.memory_space<semaphore_mem>>)
        %dma_wait3A = arith.constant 0 : i32
        %dma_wait3A_32 = tpu.memref_slice %arg3[%add3A_23, %dma_wait3A] : memref<2560x125xi32, #tpu.memory_space<hbm>> -> memref<40x125xi32, #tpu.memory_space<hbm>>
        %dma_wait3A_33 = arith.constant 0 : i32
        %dma_wait3A_34 = tpu.memref_slice %arg3[%add3A_23, %dma_wait3A_33] : memref<2560x125xi32, #tpu.memory_space<hbm>> -> memref<40x125xi32, #tpu.memory_space<hbm>>
        tpu.wait_dma2 semaphore(%run_scoped3A : memref<!tpu.dma_semaphore, #tpu.memory_space<semaphore_mem>>) src(%dma_wait3A_34 : memref<40x125xi32, #tpu.memory_space<hbm>>) dst(%arg8 : memref<40x125xi32, #tpu.memory_space<vmem>>)
        tpu.yield
      }) : () -> ()
      %scan3A_24 = arith.constant 0 : i32
      %scan3A_25 = arith.constant 20 : i32
      %scan3A_26 = arith.addi %scan3A_24, %scan3A_25 : i32
      %scan3A_27 = arith.constant 1 : i32
      scf.for %scan3A_29 = %scan3A_24 to %scan3A_26 step %scan3A_27  : i32 {
        %mul3A_30 = arith.constant 2 : i32
        %mul3A_31 = arith.muli %scan3A_29, %mul3A_30 : i32
        %add3A_32 = arith.constant 0 : i32
        %add3A_33 = arith.addi %mul3A_31, %add3A_32 : i32
        %dma_start3A = arith.constant 0 : i32
        %dma_start3A_34 = arith.constant 0 : i32
        %dma_start3A_35 = arith.constant 0 : i32
        %dma_start3A_36 = arith.constant 0 : i32
        %dma_start3A_37 = tpu.memref_slice %arg9[%dma_start3A, %dma_start3A_35, %dma_start3A_36] : memref<2x125x128xf32, #tpu.memory_space<vmem>> -> memref<1x125x128xf32, #tpu.memory_space<vmem>>
        %dma_start3A_38 = tpu.memref_squeeze %dma_start3A_37 : memref<1x125x128xf32, #tpu.memory_space<vmem>> -> memref<125x128xf32, #tpu.memory_space<vmem>>
        %dma_start3A_39 = arith.constant 0 : i32
        %dma_start3A_40 = tpu.memref_slice %arg7[%add3A_33, %dma_start3A_39] : memref<40x125xi32, #tpu.memory_space<vmem>> -> memref<1x125xi32, #tpu.memory_space<vmem>>
        %dma_start3A_41 = tpu.memref_squeeze %dma_start3A_40 : memref<1x125xi32, #tpu.memory_space<vmem>> -> memref<125xi32, #tpu.memory_space<vmem>>
        %dma_start3A_42 = arith.constant 0 : i32
        %dma_start3A_43 = arith.constant 0 : i32
        %dma_start3A_44 = tpu.memref_slice %arg4[%dma_start3A_42, %dma_start3A_43] : memref<10000x128xf32, #tpu.memory_space<hbm>> -> memref<10000x128xf32, #tpu.memory_space<hbm>>
        %dma_start3A_45 = tpu.memref_slice %arg12[%dma_start3A_34] : memref<2x!tpu.dma_semaphore, #tpu.memory_space<semaphore_mem>> -> memref<1x!tpu.dma_semaphore, #tpu.memory_space<semaphore_mem>>
        %dma_start3A_46 = tpu.memref_squeeze %dma_start3A_45 : memref<1x!tpu.dma_semaphore, #tpu.memory_space<semaphore_mem>> -> memref<!tpu.dma_semaphore, #tpu.memory_space<semaphore_mem>>
        tpu.enqueue_indirect_dma source(%dma_start3A_44 : memref<10000x128xf32, #tpu.memory_space<hbm>>) target(%dma_start3A_38 : memref<125x128xf32, #tpu.memory_space<vmem>>) offsets(%dma_start3A_41 : memref<125xi32, #tpu.memory_space<vmem>>) semaphore(%dma_start3A_46 : memref<!tpu.dma_semaphore, #tpu.memory_space<semaphore_mem>>)
        %add3A_47 = arith.constant 1 : i32
        %add3A_48 = arith.addi %mul3A_31, %add3A_47 : i32
        %dma_start3A_49 = arith.constant 1 : i32
        %dma_start3A_50 = arith.constant 1 : i32
        %dma_start3A_51 = arith.constant 0 : i32
        %dma_start3A_52 = arith.constant 0 : i32
        %dma_start3A_53 = tpu.memref_slice %arg9[%dma_start3A_49, %dma_start3A_51, %dma_start3A_52] : memref<2x125x128xf32, #tpu.memory_space<vmem>> -> memref<1x125x128xf32, #tpu.memory_space<vmem>>
        %dma_start3A_54 = tpu.memref_squeeze %dma_start3A_53 : memref<1x125x128xf32, #tpu.memory_space<vmem>> -> memref<125x128xf32, #tpu.memory_space<vmem>>
        %dma_start3A_55 = arith.constant 0 : i32
        %dma_start3A_56 = tpu.memref_slice %arg7[%add3A_48, %dma_start3A_55] : memref<40x125xi32, #tpu.memory_space<vmem>> -> memref<1x125xi32, #tpu.memory_space<vmem>>
        %dma_start3A_57 = tpu.memref_squeeze %dma_start3A_56 : memref<1x125xi32, #tpu.memory_space<vmem>> -> memref<125xi32, #tpu.memory_space<vmem>>
        %dma_start3A_58 = arith.constant 0 : i32
        %dma_start3A_59 = arith.constant 0 : i32
        %dma_start3A_60 = tpu.memref_slice %arg4[%dma_start3A_58, %dma_start3A_59] : memref<10000x128xf32, #tpu.memory_space<hbm>> -> memref<10000x128xf32, #tpu.memory_space<hbm>>
        %dma_start3A_61 = tpu.memref_slice %arg12[%dma_start3A_50] : memref<2x!tpu.dma_semaphore, #tpu.memory_space<semaphore_mem>> -> memref<1x!tpu.dma_semaphore, #tpu.memory_space<semaphore_mem>>
        %dma_start3A_62 = tpu.memref_squeeze %dma_start3A_61 : memref<1x!tpu.dma_semaphore, #tpu.memory_space<semaphore_mem>> -> memref<!tpu.dma_semaphore, #tpu.memory_space<semaphore_mem>>
        tpu.enqueue_indirect_dma source(%dma_start3A_60 : memref<10000x128xf32, #tpu.memory_space<hbm>>) target(%dma_start3A_54 : memref<125x128xf32, #tpu.memory_space<vmem>>) offsets(%dma_start3A_57 : memref<125xi32, #tpu.memory_space<vmem>>) semaphore(%dma_start3A_62 : memref<!tpu.dma_semaphore, #tpu.memory_space<semaphore_mem>>)
        %dma_wait3A = arith.constant 0 : i32
        %dma_wait3A_63 = arith.constant 0 : i32
        %dma_wait3A_64 = arith.constant 0 : i32
        %dma_wait3A_65 = arith.constant 0 : i32
        %dma_wait3A_66 = tpu.memref_slice %arg9[%dma_wait3A, %dma_wait3A_64, %dma_wait3A_65] : memref<2x125x128xf32, #tpu.memory_space<vmem>> -> memref<1x125x128xf32, #tpu.memory_space<vmem>>
        %dma_wait3A_67 = tpu.memref_squeeze %dma_wait3A_66 : memref<1x125x128xf32, #tpu.memory_space<vmem>> -> memref<125x128xf32, #tpu.memory_space<vmem>>
        %dma_wait3A_68 = arith.constant 0 : i32
        %dma_wait3A_69 = tpu.memref_slice %arg7[%add3A_33, %dma_wait3A_68] : memref<40x125xi32, #tpu.memory_space<vmem>> -> memref<1x125xi32, #tpu.memory_space<vmem>>
        %dma_wait3A_70 = tpu.memref_squeeze %dma_wait3A_69 : memref<1x125xi32, #tpu.memory_space<vmem>> -> memref<125xi32, #tpu.memory_space<vmem>>
        %dma_wait3A_71 = arith.constant 0 : i32
        %dma_wait3A_72 = arith.constant 0 : i32
        %dma_wait3A_73 = tpu.memref_slice %arg4[%dma_wait3A_71, %dma_wait3A_72] : memref<10000x128xf32, #tpu.memory_space<hbm>> -> memref<10000x128xf32, #tpu.memory_space<hbm>>
        %dma_wait3A_74 = tpu.memref_slice %arg12[%dma_wait3A_63] : memref<2x!tpu.dma_semaphore, #tpu.memory_space<semaphore_mem>> -> memref<1x!tpu.dma_semaphore, #tpu.memory_space<semaphore_mem>>
        %dma_wait3A_75 = tpu.memref_squeeze %dma_wait3A_74 : memref<1x!tpu.dma_semaphore, #tpu.memory_space<semaphore_mem>> -> memref<!tpu.dma_semaphore, #tpu.memory_space<semaphore_mem>>
        tpu.wait_indirect_dma semaphore(%dma_wait3A_75 : memref<!tpu.dma_semaphore, #tpu.memory_space<semaphore_mem>>) src(%dma_wait3A_73 : memref<10000x128xf32, #tpu.memory_space<hbm>>) dst(%dma_wait3A_67 : memref<125x128xf32, #tpu.memory_space<vmem>>)
        %add3A_76 = arith.constant 0 : i32
        %add3A_77 = arith.addi %mul3A_31, %add3A_76 : i32
        %run_scoped3A = arith.constant 0 : i32
        "tpu.region"() ({
          %run_scoped3A_95 = tpu.sem_alloc : memref<!tpu.dma_semaphore, #tpu.memory_space<semaphore_mem>>
          %dma_start3A_96 = arith.constant 0 : i32
          %dma_start3A_97 = arith.constant 0 : i32
          %dma_start3A_98 = tpu.memref_slice %arg9[%run_scoped3A, %dma_start3A_96, %dma_start3A_97] : memref<2x125x128xf32, #tpu.memory_space<vmem>> -> memref<1x125x128xf32, #tpu.memory_space<vmem>>
          %dma_start3A_99 = tpu.memref_squeeze %dma_start3A_98 : memref<1x125x128xf32, #tpu.memory_space<vmem>> -> memref<125x128xf32, #tpu.memory_space<vmem>>
          %dma_start3A_100 = arith.constant 0 : i32
          %dma_start3A_101 = tpu.memref_slice %arg8[%add3A_77, %dma_start3A_100] : memref<40x125xi32, #tpu.memory_space<vmem>> -> memref<1x125xi32, #tpu.memory_space<vmem>>
          %dma_start3A_102 = tpu.memref_squeeze %dma_start3A_101 : memref<1x125xi32, #tpu.memory_space<vmem>> -> memref<125xi32, #tpu.memory_space<vmem>>
          %dma_start3A_103 = arith.constant 0 : i32
          %dma_start3A_104 = arith.constant 0 : i32
          %dma_start3A_105 = tpu.memref_slice %arg10[%dma_start3A_103, %dma_start3A_104] : memref<10000x128xf32, #tpu.memory_space<vmem_shared>> -> memref<10000x128xf32, #tpu.memory_space<vmem_shared>>
          tpu.enqueue_indirect_dma source(%dma_start3A_99 : memref<125x128xf32, #tpu.memory_space<vmem>>) target(%dma_start3A_105 : memref<10000x128xf32, #tpu.memory_space<vmem_shared>>) offsets(%dma_start3A_102 : memref<125xi32, #tpu.memory_space<vmem>>) semaphore(%run_scoped3A_95 : memref<!tpu.dma_semaphore, #tpu.memory_space<semaphore_mem>>) {add = true}
          %dma_wait3A_106 = arith.constant 0 : i32
          %dma_wait3A_107 = arith.constant 0 : i32
          %dma_wait3A_108 = tpu.memref_slice %arg9[%run_scoped3A, %dma_wait3A_106, %dma_wait3A_107] : memref<2x125x128xf32, #tpu.memory_space<vmem>> -> memref<1x125x128xf32, #tpu.memory_space<vmem>>
          %dma_wait3A_109 = tpu.memref_squeeze %dma_wait3A_108 : memref<1x125x128xf32, #tpu.memory_space<vmem>> -> memref<125x128xf32, #tpu.memory_space<vmem>>
          %dma_wait3A_110 = arith.constant 0 : i32
          %dma_wait3A_111 = tpu.memref_slice %arg8[%add3A_77, %dma_wait3A_110] : memref<40x125xi32, #tpu.memory_space<vmem>> -> memref<1x125xi32, #tpu.memory_space<vmem>>
          %dma_wait3A_112 = tpu.memref_squeeze %dma_wait3A_111 : memref<1x125xi32, #tpu.memory_space<vmem>> -> memref<125xi32, #tpu.memory_space<vmem>>
          %dma_wait3A_113 = arith.constant 0 : i32
          %dma_wait3A_114 = arith.constant 0 : i32
          %dma_wait3A_115 = tpu.memref_slice %arg10[%dma_wait3A_113, %dma_wait3A_114] : memref<10000x128xf32, #tpu.memory_space<vmem_shared>> -> memref<10000x128xf32, #tpu.memory_space<vmem_shared>>
          tpu.wait_indirect_dma semaphore(%run_scoped3A_95 : memref<!tpu.dma_semaphore, #tpu.memory_space<semaphore_mem>>) src(%dma_wait3A_109 : memref<125x128xf32, #tpu.memory_space<vmem>>) dst(%dma_wait3A_115 : memref<10000x128xf32, #tpu.memory_space<vmem_shared>>)
          tpu.yield
        }) : () -> ()
        %dma_wait3A_78 = arith.constant 1 : i32
        %dma_wait3A_79 = arith.constant 1 : i32
        %dma_wait3A_80 = arith.constant 0 : i32
        %dma_wait3A_81 = arith.constant 0 : i32
        %dma_wait3A_82 = tpu.memref_slice %arg9[%dma_wait3A_78, %dma_wait3A_80, %dma_wait3A_81] : memref<2x125x128xf32, #tpu.memory_space<vmem>> -> memref<1x125x128xf32, #tpu.memory_space<vmem>>
        %dma_wait3A_83 = tpu.memref_squeeze %dma_wait3A_82 : memref<1x125x128xf32, #tpu.memory_space<vmem>> -> memref<125x128xf32, #tpu.memory_space<vmem>>
        %dma_wait3A_84 = arith.constant 0 : i32
        %dma_wait3A_85 = tpu.memref_slice %arg7[%add3A_48, %dma_wait3A_84] : memref<40x125xi32, #tpu.memory_space<vmem>> -> memref<1x125xi32, #tpu.memory_space<vmem>>
        %dma_wait3A_86 = tpu.memref_squeeze %dma_wait3A_85 : memref<1x125xi32, #tpu.memory_space<vmem>> -> memref<125xi32, #tpu.memory_space<vmem>>
        %dma_wait3A_87 = arith.constant 0 : i32
        %dma_wait3A_88 = arith.constant 0 : i32
        %dma_wait3A_89 = tpu.memref_slice %arg4[%dma_wait3A_87, %dma_wait3A_88] : memref<10000x128xf32, #tpu.memory_space<hbm>> -> memref<10000x128xf32, #tpu.memory_space<hbm>>
        %dma_wait3A_90 = tpu.memref_slice %arg12[%dma_wait3A_79] : memref<2x!tpu.dma_semaphore, #tpu.memory_space<semaphore_mem>> -> memref<1x!tpu.dma_semaphore, #tpu.memory_space<semaphore_mem>>
        %dma_wait3A_91 = tpu.memref_squeeze %dma_wait3A_90 : memref<1x!tpu.dma_semaphore, #tpu.memory_space<semaphore_mem>> -> memref<!tpu.dma_semaphore, #tpu.memory_space<semaphore_mem>>
        tpu.wait_indirect_dma semaphore(%dma_wait3A_91 : memref<!tpu.dma_semaphore, #tpu.memory_space<semaphore_mem>>) src(%dma_wait3A_89 : memref<10000x128xf32, #tpu.memory_space<hbm>>) dst(%dma_wait3A_83 : memref<125x128xf32, #tpu.memory_space<vmem>>)
        %add3A_92 = arith.constant 1 : i32
        %add3A_93 = arith.addi %mul3A_31, %add3A_92 : i32
        %run_scoped3A_94 = arith.constant 1 : i32
        "tpu.region"() ({
          %run_scoped3A_95 = tpu.sem_alloc : memref<!tpu.dma_semaphore, #tpu.memory_space<semaphore_mem>>
          %dma_start3A_96 = arith.constant 0 : i32
          %dma_start3A_97 = arith.constant 0 : i32
          %dma_start3A_98 = tpu.memref_slice %arg9[%run_scoped3A_94, %dma_start3A_96, %dma_start3A_97] : memref<2x125x128xf32, #tpu.memory_space<vmem>> -> memref<1x125x128xf32, #tpu.memory_space<vmem>>
          %dma_start3A_99 = tpu.memref_squeeze %dma_start3A_98 : memref<1x125x128xf32, #tpu.memory_space<vmem>> -> memref<125x128xf32, #tpu.memory_space<vmem>>
          %dma_start3A_100 = arith.constant 0 : i32
          %dma_start3A_101 = tpu.memref_slice %arg8[%add3A_93, %dma_start3A_100] : memref<40x125xi32, #tpu.memory_space<vmem>> -> memref<1x125xi32, #tpu.memory_space<vmem>>
          %dma_start3A_102 = tpu.memref_squeeze %dma_start3A_101 : memref<1x125xi32, #tpu.memory_space<vmem>> -> memref<125xi32, #tpu.memory_space<vmem>>
          %dma_start3A_103 = arith.constant 0 : i32
          %dma_start3A_104 = arith.constant 0 : i32
          %dma_start3A_105 = tpu.memref_slice %arg10[%dma_start3A_103, %dma_start3A_104] : memref<10000x128xf32, #tpu.memory_space<vmem_shared>> -> memref<10000x128xf32, #tpu.memory_space<vmem_shared>>
          tpu.enqueue_indirect_dma source(%dma_start3A_99 : memref<125x128xf32, #tpu.memory_space<vmem>>) target(%dma_start3A_105 : memref<10000x128xf32, #tpu.memory_space<vmem_shared>>) offsets(%dma_start3A_102 : memref<125xi32, #tpu.memory_space<vmem>>) semaphore(%run_scoped3A_95 : memref<!tpu.dma_semaphore, #tpu.memory_space<semaphore_mem>>) {add = true}
          %dma_wait3A_106 = arith.constant 0 : i32
          %dma_wait3A_107 = arith.constant 0 : i32
          %dma_wait3A_108 = tpu.memref_slice %arg9[%run_scoped3A_94, %dma_wait3A_106, %dma_wait3A_107] : memref<2x125x128xf32, #tpu.memory_space<vmem>> -> memref<1x125x128xf32, #tpu.memory_space<vmem>>
          %dma_wait3A_109 = tpu.memref_squeeze %dma_wait3A_108 : memref<1x125x128xf32, #tpu.memory_space<vmem>> -> memref<125x128xf32, #tpu.memory_space<vmem>>
          %dma_wait3A_110 = arith.constant 0 : i32
          %dma_wait3A_111 = tpu.memref_slice %arg8[%add3A_93, %dma_wait3A_110] : memref<40x125xi32, #tpu.memory_space<vmem>> -> memref<1x125xi32, #tpu.memory_space<vmem>>
          %dma_wait3A_112 = tpu.memref_squeeze %dma_wait3A_111 : memref<1x125xi32, #tpu.memory_space<vmem>> -> memref<125xi32, #tpu.memory_space<vmem>>
          %dma_wait3A_113 = arith.constant 0 : i32
          %dma_wait3A_114 = arith.constant 0 : i32
          %dma_wait3A_115 = tpu.memref_slice %arg10[%dma_wait3A_113, %dma_wait3A_114] : memref<10000x128xf32, #tpu.memory_space<vmem_shared>> -> memref<10000x128xf32, #tpu.memory_space<vmem_shared>>
          tpu.wait_indirect_dma semaphore(%run_scoped3A_95 : memref<!tpu.dma_semaphore, #tpu.memory_space<semaphore_mem>>) src(%dma_wait3A_109 : memref<125x128xf32, #tpu.memory_space<vmem>>) dst(%dma_wait3A_115 : memref<10000x128xf32, #tpu.memory_space<vmem_shared>>)
          tpu.yield
        }) : () -> ()
      }
      %scan3A_28 = arith.constant 20 : i32
    }
    %scan3A_9 = arith.constant 2 : i32
    %barrier3A_10 = arith.constant 0 : index
    tpu.barrier barrier_id(%barrier3A_10)
    %mul3A_11 = arith.constant 625 : i32
    %mul3A_12 = arith.muli %arg1, %mul3A_11 : i32
    %mul3A_13 = arith.constant 10000 : i32
    %mul3A_14 = arith.muli %arg0, %mul3A_13 : i32
    %mul3A_15 = arith.constant 625 : i32
    %mul3A_16 = arith.muli %arg1, %mul3A_15 : i32
    %add3A_17 = arith.addi %mul3A_14, %mul3A_16 : i32
    "tpu.region"() ({
      %run_scoped3A = tpu.sem_alloc : memref<!tpu.dma_semaphore, #tpu.memory_space<semaphore_mem>>
      %dma_start3A = arith.constant 0 : i32
      %dma_start3A_18 = tpu.memref_slice %arg6[%add3A_17, %dma_start3A] : memref<20000x128xf32, #tpu.memory_space<hbm>> -> memref<625x128xf32, #tpu.memory_space<hbm>>
      %dma_start3A_19 = arith.constant 0 : i32
      %dma_start3A_20 = tpu.memref_slice %arg10[%mul3A_12, %dma_start3A_19] : memref<10000x128xf32, #tpu.memory_space<vmem_shared>> -> memref<625x128xf32, #tpu.memory_space<vmem_shared>>
      tpu.enqueue_dma source(%dma_start3A_20 : memref<625x128xf32, #tpu.memory_space<vmem_shared>>) target(%dma_start3A_18 : memref<625x128xf32, #tpu.memory_space<hbm>>) target_semaphore(%run_scoped3A : memref<!tpu.dma_semaphore, #tpu.memory_space<semaphore_mem>>)
      %dma_wait3A = arith.constant 0 : i32
      %dma_wait3A_21 = tpu.memref_slice %arg6[%add3A_17, %dma_wait3A] : memref<20000x128xf32, #tpu.memory_space<hbm>> -> memref<625x128xf32, #tpu.memory_space<hbm>>
      %dma_wait3A_22 = arith.constant 0 : i32
      %dma_wait3A_23 = tpu.memref_slice %arg10[%mul3A_12, %dma_wait3A_22] : memref<10000x128xf32, #tpu.memory_space<vmem_shared>> -> memref<625x128xf32, #tpu.memory_space<vmem_shared>>
      tpu.wait_dma2 semaphore(%run_scoped3A : memref<!tpu.dma_semaphore, #tpu.memory_space<semaphore_mem>>) src(%dma_wait3A_23 : memref<625x128xf32, #tpu.memory_space<vmem_shared>>) dst(%dma_wait3A_21 : memref<625x128xf32, #tpu.memory_space<hbm>>)
      tpu.yield
    }) : () -> ()
    return
  }
}

#map = affine_map<(d0, d1) -> (0, 0)>
module attributes {stable_mosaic.version = 14 : i64} {
  func.func @_deg_body(%arg0: i32, %arg1: i32, %arg2: memref<2560x125xi32, #tpu.memory_space<hbm>>, %arg3: memref<125x16xf32, #tpu.memory_space<hbm>>, %arg4: memref<10000x16xf32, #tpu.memory_space<hbm>>, %arg5: memref<20000x16xf32, #tpu.memory_space<hbm>>, %arg6: memref<80x125xi32, #tpu.memory_space<vmem>>, %arg7: memref<125x16xf32, #tpu.memory_space<vmem>>, %arg8: memref<10000x16xf32, #tpu.memory_space<vmem_shared>>, %arg9: memref<!tpu.dma_semaphore, #tpu.memory_space<semaphore_mem>>) attributes {dimension_semantics = [#tpu.dimension_semantics<core_parallel>, #tpu.dimension_semantics<subcore_parallel>], iteration_bounds = array<i64: 2, 16>, scalar_prefetch = 0 : i64, scratch_operands = 4 : i64, tpu.core_type = #tpu.core_type<sc_vector_subcore>, window_params = [{transform_indices = #map}, {transform_indices = #map}, {transform_indices = #map}, {transform_indices = #map}]} {
    %mul3A = arith.constant 16 : i32
    %mul3A_0 = arith.muli %arg0, %mul3A : i32
    %add3A = arith.addi %mul3A_0, %arg1 : i32
    %mul3A_1 = arith.constant 625 : i32
    %mul3A_2 = arith.muli %arg1, %mul3A_1 : i32
    %mul3A_3 = arith.constant 625 : i32
    %mul3A_4 = arith.muli %arg1, %mul3A_3 : i32
    "tpu.region"() ({
      %run_scoped3A = tpu.sem_alloc : memref<!tpu.dma_semaphore, #tpu.memory_space<semaphore_mem>>
      %dma_start3A = arith.constant 0 : i32
      %dma_start3A_20 = tpu.memref_slice %arg8[%mul3A_4, %dma_start3A] : memref<10000x16xf32, #tpu.memory_space<vmem_shared>> -> memref<625x16xf32, #tpu.memory_space<vmem_shared>>
      %dma_start3A_21 = arith.constant 0 : i32
      %dma_start3A_22 = tpu.memref_slice %arg4[%mul3A_2, %dma_start3A_21] : memref<10000x16xf32, #tpu.memory_space<hbm>> -> memref<625x16xf32, #tpu.memory_space<hbm>>
      tpu.enqueue_dma source(%dma_start3A_22 : memref<625x16xf32, #tpu.memory_space<hbm>>) target(%dma_start3A_20 : memref<625x16xf32, #tpu.memory_space<vmem_shared>>) target_semaphore(%run_scoped3A : memref<!tpu.dma_semaphore, #tpu.memory_space<semaphore_mem>>)
      %dma_wait3A = arith.constant 0 : i32
      %dma_wait3A_23 = tpu.memref_slice %arg8[%mul3A_4, %dma_wait3A] : memref<10000x16xf32, #tpu.memory_space<vmem_shared>> -> memref<625x16xf32, #tpu.memory_space<vmem_shared>>
      %dma_wait3A_24 = arith.constant 0 : i32
      %dma_wait3A_25 = tpu.memref_slice %arg4[%mul3A_2, %dma_wait3A_24] : memref<10000x16xf32, #tpu.memory_space<hbm>> -> memref<625x16xf32, #tpu.memory_space<hbm>>
      tpu.wait_dma2 semaphore(%run_scoped3A : memref<!tpu.dma_semaphore, #tpu.memory_space<semaphore_mem>>) src(%dma_wait3A_25 : memref<625x16xf32, #tpu.memory_space<hbm>>) dst(%dma_wait3A_23 : memref<625x16xf32, #tpu.memory_space<vmem_shared>>)
      tpu.yield
    }) : () -> ()
    "tpu.region"() ({
      %run_scoped3A = tpu.sem_alloc : memref<!tpu.dma_semaphore, #tpu.memory_space<semaphore_mem>>
      tpu.enqueue_dma source(%arg3 : memref<125x16xf32, #tpu.memory_space<hbm>>) target(%arg7 : memref<125x16xf32, #tpu.memory_space<vmem>>) target_semaphore(%run_scoped3A : memref<!tpu.dma_semaphore, #tpu.memory_space<semaphore_mem>>)
      tpu.wait_dma2 semaphore(%run_scoped3A : memref<!tpu.dma_semaphore, #tpu.memory_space<semaphore_mem>>) src(%arg3 : memref<125x16xf32, #tpu.memory_space<hbm>>) dst(%arg7 : memref<125x16xf32, #tpu.memory_space<vmem>>)
      tpu.yield
    }) : () -> ()
    %mul3A_5 = arith.constant 80 : i32
    %mul3A_6 = arith.muli %add3A, %mul3A_5 : i32
    "tpu.region"() ({
      %run_scoped3A = tpu.sem_alloc : memref<!tpu.dma_semaphore, #tpu.memory_space<semaphore_mem>>
      %dma_start3A = arith.constant 0 : i32
      %dma_start3A_20 = tpu.memref_slice %arg2[%mul3A_6, %dma_start3A] : memref<2560x125xi32, #tpu.memory_space<hbm>> -> memref<80x125xi32, #tpu.memory_space<hbm>>
      %dma_start3A_21 = arith.constant 0 : i32
      %dma_start3A_22 = tpu.memref_slice %arg2[%mul3A_6, %dma_start3A_21] : memref<2560x125xi32, #tpu.memory_space<hbm>> -> memref<80x125xi32, #tpu.memory_space<hbm>>
      tpu.enqueue_dma source(%dma_start3A_22 : memref<80x125xi32, #tpu.memory_space<hbm>>) target(%arg6 : memref<80x125xi32, #tpu.memory_space<vmem>>) target_semaphore(%run_scoped3A : memref<!tpu.dma_semaphore, #tpu.memory_space<semaphore_mem>>)
      %dma_wait3A = arith.constant 0 : i32
      %dma_wait3A_23 = tpu.memref_slice %arg2[%mul3A_6, %dma_wait3A] : memref<2560x125xi32, #tpu.memory_space<hbm>> -> memref<80x125xi32, #tpu.memory_space<hbm>>
      %dma_wait3A_24 = arith.constant 0 : i32
      %dma_wait3A_25 = tpu.memref_slice %arg2[%mul3A_6, %dma_wait3A_24] : memref<2560x125xi32, #tpu.memory_space<hbm>> -> memref<80x125xi32, #tpu.memory_space<hbm>>
      tpu.wait_dma2 semaphore(%run_scoped3A : memref<!tpu.dma_semaphore, #tpu.memory_space<semaphore_mem>>) src(%dma_wait3A_25 : memref<80x125xi32, #tpu.memory_space<hbm>>) dst(%arg6 : memref<80x125xi32, #tpu.memory_space<vmem>>)
      tpu.yield
    }) : () -> ()
    %barrier3A = arith.constant 0 : index
    tpu.barrier barrier_id(%barrier3A)
    %scan3A = arith.constant 0 : i32
    %scan3A_7 = arith.constant 0 : i32
    %scan3A_8 = arith.constant 80 : i32
    %scan3A_9 = arith.addi %scan3A_7, %scan3A_8 : i32
    %scan3A_10 = arith.constant 1 : i32
    scf.for %scan3A_20 = %scan3A_7 to %scan3A_9 step %scan3A_10  : i32 {
      "tpu.region"() ({
        %run_scoped3A = tpu.sem_alloc : memref<!tpu.dma_semaphore, #tpu.memory_space<semaphore_mem>>
        %dma_start3A = arith.constant 0 : i32
        %dma_start3A_21 = tpu.memref_slice %arg6[%scan3A_20, %dma_start3A] : memref<80x125xi32, #tpu.memory_space<vmem>> -> memref<1x125xi32, #tpu.memory_space<vmem>>
        %dma_start3A_22 = tpu.memref_squeeze %dma_start3A_21 : memref<1x125xi32, #tpu.memory_space<vmem>> -> memref<125xi32, #tpu.memory_space<vmem>>
        %dma_start3A_23 = arith.constant 0 : i32
        %dma_start3A_24 = arith.constant 0 : i32
        %dma_start3A_25 = tpu.memref_slice %arg8[%dma_start3A_23, %dma_start3A_24] : memref<10000x16xf32, #tpu.memory_space<vmem_shared>> -> memref<10000x16xf32, #tpu.memory_space<vmem_shared>>
        tpu.enqueue_indirect_dma source(%arg7 : memref<125x16xf32, #tpu.memory_space<vmem>>) target(%dma_start3A_25 : memref<10000x16xf32, #tpu.memory_space<vmem_shared>>) offsets(%dma_start3A_22 : memref<125xi32, #tpu.memory_space<vmem>>) semaphore(%run_scoped3A : memref<!tpu.dma_semaphore, #tpu.memory_space<semaphore_mem>>) {add = true}
        %dma_wait3A = arith.constant 0 : i32
        %dma_wait3A_26 = tpu.memref_slice %arg6[%scan3A_20, %dma_wait3A] : memref<80x125xi32, #tpu.memory_space<vmem>> -> memref<1x125xi32, #tpu.memory_space<vmem>>
        %dma_wait3A_27 = tpu.memref_squeeze %dma_wait3A_26 : memref<1x125xi32, #tpu.memory_space<vmem>> -> memref<125xi32, #tpu.memory_space<vmem>>
        %dma_wait3A_28 = arith.constant 0 : i32
        %dma_wait3A_29 = arith.constant 0 : i32
        %dma_wait3A_30 = tpu.memref_slice %arg8[%dma_wait3A_28, %dma_wait3A_29] : memref<10000x16xf32, #tpu.memory_space<vmem_shared>> -> memref<10000x16xf32, #tpu.memory_space<vmem_shared>>
        tpu.wait_indirect_dma semaphore(%run_scoped3A : memref<!tpu.dma_semaphore, #tpu.memory_space<semaphore_mem>>) src(%arg7 : memref<125x16xf32, #tpu.memory_space<vmem>>) dst(%dma_wait3A_30 : memref<10000x16xf32, #tpu.memory_space<vmem_shared>>)
        tpu.yield
      }) : () -> ()
    }
    %scan3A_11 = arith.constant 80 : i32
    %barrier3A_12 = arith.constant 0 : index
    tpu.barrier barrier_id(%barrier3A_12)
    %mul3A_13 = arith.constant 625 : i32
    %mul3A_14 = arith.muli %arg1, %mul3A_13 : i32
    %mul3A_15 = arith.constant 10000 : i32
    %mul3A_16 = arith.muli %arg0, %mul3A_15 : i32
    %mul3A_17 = arith.constant 625 : i32
    %mul3A_18 = arith.muli %arg1, %mul3A_17 : i32
    %add3A_19 = arith.addi %mul3A_16, %mul3A_18 : i32
    "tpu.region"() ({
      %run_scoped3A = tpu.sem_alloc : memref<!tpu.dma_semaphore, #tpu.memory_space<semaphore_mem>>
      %dma_start3A = arith.constant 0 : i32
      %dma_start3A_20 = tpu.memref_slice %arg5[%add3A_19, %dma_start3A] : memref<20000x16xf32, #tpu.memory_space<hbm>> -> memref<625x16xf32, #tpu.memory_space<hbm>>
      %dma_start3A_21 = arith.constant 0 : i32
      %dma_start3A_22 = tpu.memref_slice %arg8[%mul3A_14, %dma_start3A_21] : memref<10000x16xf32, #tpu.memory_space<vmem_shared>> -> memref<625x16xf32, #tpu.memory_space<vmem_shared>>
      tpu.enqueue_dma source(%dma_start3A_22 : memref<625x16xf32, #tpu.memory_space<vmem_shared>>) target(%dma_start3A_20 : memref<625x16xf32, #tpu.memory_space<hbm>>) target_semaphore(%run_scoped3A : memref<!tpu.dma_semaphore, #tpu.memory_space<semaphore_mem>>)
      %dma_wait3A = arith.constant 0 : i32
      %dma_wait3A_23 = tpu.memref_slice %arg5[%add3A_19, %dma_wait3A] : memref<20000x16xf32, #tpu.memory_space<hbm>> -> memref<625x16xf32, #tpu.memory_space<hbm>>
      %dma_wait3A_24 = arith.constant 0 : i32
      %dma_wait3A_25 = tpu.memref_slice %arg8[%mul3A_14, %dma_wait3A_24] : memref<10000x16xf32, #tpu.memory_space<vmem_shared>> -> memref<625x16xf32, #tpu.memory_space<vmem_shared>>
      tpu.wait_dma2 semaphore(%run_scoped3A : memref<!tpu.dma_semaphore, #tpu.memory_space<semaphore_mem>>) src(%dma_wait3A_25 : memref<625x16xf32, #tpu.memory_space<vmem_shared>>) dst(%dma_wait3A_23 : memref<625x16xf32, #tpu.memory_space<hbm>>)
      tpu.yield
    }) : () -> ()
    return
  }
}

#map = affine_map<(d0, d1) -> (0, 0)>
module attributes {stable_mosaic.version = 14 : i64} {
  func.func @_prop_body(%arg0: i32, %arg1: i32, %arg2: memref<2560x125xi32, #tpu.memory_space<hbm>>, %arg3: memref<2560x125xi32, #tpu.memory_space<hbm>>, %arg4: memref<10000x48xf32, #tpu.memory_space<hbm>>, %arg5: memref<10000x48xf32, #tpu.memory_space<hbm>>, %arg6: memref<20000x48xf32, #tpu.memory_space<hbm>>, %arg7: memref<80x125xi32, #tpu.memory_space<vmem>>, %arg8: memref<80x125xi32, #tpu.memory_space<vmem>>, %arg9: memref<4x125x48xf32, #tpu.memory_space<vmem>>, %arg10: memref<10000x48xf32, #tpu.memory_space<vmem_shared>>, %arg11: memref<!tpu.dma_semaphore, #tpu.memory_space<semaphore_mem>>, %arg12: memref<4x!tpu.dma_semaphore, #tpu.memory_space<semaphore_mem>>) attributes {dimension_semantics = [#tpu.dimension_semantics<core_parallel>, #tpu.dimension_semantics<subcore_parallel>], iteration_bounds = array<i64: 2, 16>, scalar_prefetch = 0 : i64, scratch_operands = 6 : i64, tpu.core_type = #tpu.core_type<sc_vector_subcore>, window_params = [{transform_indices = #map}, {transform_indices = #map}, {transform_indices = #map}, {transform_indices = #map}, {transform_indices = #map}]} {
    %mul3A = arith.constant 16 : i32
    %mul3A_0 = arith.muli %arg0, %mul3A : i32
    %add3A = arith.addi %mul3A_0, %arg1 : i32
    %mul3A_1 = arith.constant 625 : i32
    %mul3A_2 = arith.muli %arg1, %mul3A_1 : i32
    %mul3A_3 = arith.constant 625 : i32
    %mul3A_4 = arith.muli %arg1, %mul3A_3 : i32
    "tpu.region"() ({
      %run_scoped3A = tpu.sem_alloc : memref<!tpu.dma_semaphore, #tpu.memory_space<semaphore_mem>>
      %dma_start3A = arith.constant 0 : i32
      %dma_start3A_25 = tpu.memref_slice %arg10[%mul3A_4, %dma_start3A] : memref<10000x48xf32, #tpu.memory_space<vmem_shared>> -> memref<625x48xf32, #tpu.memory_space<vmem_shared>>
      %dma_start3A_26 = arith.constant 0 : i32
      %dma_start3A_27 = tpu.memref_slice %arg5[%mul3A_2, %dma_start3A_26] : memref<10000x48xf32, #tpu.memory_space<hbm>> -> memref<625x48xf32, #tpu.memory_space<hbm>>
      tpu.enqueue_dma source(%dma_start3A_27 : memref<625x48xf32, #tpu.memory_space<hbm>>) target(%dma_start3A_25 : memref<625x48xf32, #tpu.memory_space<vmem_shared>>) target_semaphore(%run_scoped3A : memref<!tpu.dma_semaphore, #tpu.memory_space<semaphore_mem>>)
      %dma_wait3A = arith.constant 0 : i32
      %dma_wait3A_28 = tpu.memref_slice %arg10[%mul3A_4, %dma_wait3A] : memref<10000x48xf32, #tpu.memory_space<vmem_shared>> -> memref<625x48xf32, #tpu.memory_space<vmem_shared>>
      %dma_wait3A_29 = arith.constant 0 : i32
      %dma_wait3A_30 = tpu.memref_slice %arg5[%mul3A_2, %dma_wait3A_29] : memref<10000x48xf32, #tpu.memory_space<hbm>> -> memref<625x48xf32, #tpu.memory_space<hbm>>
      tpu.wait_dma2 semaphore(%run_scoped3A : memref<!tpu.dma_semaphore, #tpu.memory_space<semaphore_mem>>) src(%dma_wait3A_30 : memref<625x48xf32, #tpu.memory_space<hbm>>) dst(%dma_wait3A_28 : memref<625x48xf32, #tpu.memory_space<vmem_shared>>)
      tpu.yield
    }) : () -> ()
    %barrier3A = arith.constant 0 : index
    tpu.barrier barrier_id(%barrier3A)
    %scan3A = arith.constant 0 : i32
    %scan3A_5 = arith.constant 0 : i32
    %mul3A_6 = arith.constant 80 : i32
    %mul3A_7 = arith.muli %add3A, %mul3A_6 : i32
    %mul3A_8 = arith.constant 80 : i32
    %mul3A_9 = arith.muli %scan3A_5, %mul3A_8 : i32
    %add3A_10 = arith.addi %mul3A_7, %mul3A_9 : i32
    "tpu.region"() ({
      %run_scoped3A = tpu.sem_alloc : memref<!tpu.dma_semaphore, #tpu.memory_space<semaphore_mem>>
      %dma_start3A = arith.constant 0 : i32
      %dma_start3A_25 = tpu.memref_slice %arg2[%add3A_10, %dma_start3A] : memref<2560x125xi32, #tpu.memory_space<hbm>> -> memref<80x125xi32, #tpu.memory_space<hbm>>
      %dma_start3A_26 = arith.constant 0 : i32
      %dma_start3A_27 = tpu.memref_slice %arg2[%add3A_10, %dma_start3A_26] : memref<2560x125xi32, #tpu.memory_space<hbm>> -> memref<80x125xi32, #tpu.memory_space<hbm>>
      tpu.enqueue_dma source(%dma_start3A_27 : memref<80x125xi32, #tpu.memory_space<hbm>>) target(%arg7 : memref<80x125xi32, #tpu.memory_space<vmem>>) target_semaphore(%run_scoped3A : memref<!tpu.dma_semaphore, #tpu.memory_space<semaphore_mem>>)
      %dma_wait3A = arith.constant 0 : i32
      %dma_wait3A_28 = tpu.memref_slice %arg2[%add3A_10, %dma_wait3A] : memref<2560x125xi32, #tpu.memory_space<hbm>> -> memref<80x125xi32, #tpu.memory_space<hbm>>
      %dma_wait3A_29 = arith.constant 0 : i32
      %dma_wait3A_30 = tpu.memref_slice %arg2[%add3A_10, %dma_wait3A_29] : memref<2560x125xi32, #tpu.memory_space<hbm>> -> memref<80x125xi32, #tpu.memory_space<hbm>>
      tpu.wait_dma2 semaphore(%run_scoped3A : memref<!tpu.dma_semaphore, #tpu.memory_space<semaphore_mem>>) src(%dma_wait3A_30 : memref<80x125xi32, #tpu.memory_space<hbm>>) dst(%arg7 : memref<80x125xi32, #tpu.memory_space<vmem>>)
      tpu.yield
    }) : () -> ()
    "tpu.region"() ({
      %run_scoped3A = tpu.sem_alloc : memref<!tpu.dma_semaphore, #tpu.memory_space<semaphore_mem>>
      %dma_start3A = arith.constant 0 : i32
      %dma_start3A_25 = tpu.memref_slice %arg3[%add3A_10, %dma_start3A] : memref<2560x125xi32, #tpu.memory_space<hbm>> -> memref<80x125xi32, #tpu.memory_space<hbm>>
      %dma_start3A_26 = arith.constant 0 : i32
      %dma_start3A_27 = tpu.memref_slice %arg3[%add3A_10, %dma_start3A_26] : memref<2560x125xi32, #tpu.memory_space<hbm>> -> memref<80x125xi32, #tpu.memory_space<hbm>>
      tpu.enqueue_dma source(%dma_start3A_27 : memref<80x125xi32, #tpu.memory_space<hbm>>) target(%arg8 : memref<80x125xi32, #tpu.memory_space<vmem>>) target_semaphore(%run_scoped3A : memref<!tpu.dma_semaphore, #tpu.memory_space<semaphore_mem>>)
      %dma_wait3A = arith.constant 0 : i32
      %dma_wait3A_28 = tpu.memref_slice %arg3[%add3A_10, %dma_wait3A] : memref<2560x125xi32, #tpu.memory_space<hbm>> -> memref<80x125xi32, #tpu.memory_space<hbm>>
      %dma_wait3A_29 = arith.constant 0 : i32
      %dma_wait3A_30 = tpu.memref_slice %arg3[%add3A_10, %dma_wait3A_29] : memref<2560x125xi32, #tpu.memory_space<hbm>> -> memref<80x125xi32, #tpu.memory_space<hbm>>
      tpu.wait_dma2 semaphore(%run_scoped3A : memref<!tpu.dma_semaphore, #tpu.memory_space<semaphore_mem>>) src(%dma_wait3A_30 : memref<80x125xi32, #tpu.memory_space<hbm>>) dst(%arg8 : memref<80x125xi32, #tpu.memory_space<vmem>>)
      tpu.yield
    }) : () -> ()
    %scan3A_11 = arith.constant 0 : i32
    %scan3A_12 = arith.constant 20 : i32
    %scan3A_13 = arith.addi %scan3A_11, %scan3A_12 : i32
    %scan3A_14 = arith.constant 1 : i32
    scf.for %scan3A_25 = %scan3A_11 to %scan3A_13 step %scan3A_14  : i32 {
      %mul3A_26 = arith.constant 4 : i32
      %mul3A_27 = arith.muli %scan3A_25, %mul3A_26 : i32
      %add3A_28 = arith.constant 0 : i32
      %add3A_29 = arith.addi %mul3A_27, %add3A_28 : i32
      %dma_start3A = arith.constant 0 : i32
      %dma_start3A_30 = arith.constant 0 : i32
      %dma_start3A_31 = arith.constant 0 : i32
      %dma_start3A_32 = arith.constant 0 : i32
      %dma_start3A_33 = tpu.memref_slice %arg9[%dma_start3A, %dma_start3A_31, %dma_start3A_32] : memref<4x125x48xf32, #tpu.memory_space<vmem>> -> memref<1x125x48xf32, #tpu.memory_space<vmem>>
      %dma_start3A_34 = tpu.memref_squeeze %dma_start3A_33 : memref<1x125x48xf32, #tpu.memory_space<vmem>> -> memref<125x48xf32, #tpu.memory_space<vmem>>
      %dma_start3A_35 = arith.constant 0 : i32
      %dma_start3A_36 = tpu.memref_slice %arg7[%add3A_29, %dma_start3A_35] : memref<80x125xi32, #tpu.memory_space<vmem>> -> memref<1x125xi32, #tpu.memory_space<vmem>>
      %dma_start3A_37 = tpu.memref_squeeze %dma_start3A_36 : memref<1x125xi32, #tpu.memory_space<vmem>> -> memref<125xi32, #tpu.memory_space<vmem>>
      %dma_start3A_38 = arith.constant 0 : i32
      %dma_start3A_39 = arith.constant 0 : i32
      %dma_start3A_40 = tpu.memref_slice %arg4[%dma_start3A_38, %dma_start3A_39] : memref<10000x48xf32, #tpu.memory_space<hbm>> -> memref<10000x48xf32, #tpu.memory_space<hbm>>
      %dma_start3A_41 = tpu.memref_slice %arg12[%dma_start3A_30] : memref<4x!tpu.dma_semaphore, #tpu.memory_space<semaphore_mem>> -> memref<1x!tpu.dma_semaphore, #tpu.memory_space<semaphore_mem>>
      %dma_start3A_42 = tpu.memref_squeeze %dma_start3A_41 : memref<1x!tpu.dma_semaphore, #tpu.memory_space<semaphore_mem>> -> memref<!tpu.dma_semaphore, #tpu.memory_space<semaphore_mem>>
      tpu.enqueue_indirect_dma source(%dma_start3A_40 : memref<10000x48xf32, #tpu.memory_space<hbm>>) target(%dma_start3A_34 : memref<125x48xf32, #tpu.memory_space<vmem>>) offsets(%dma_start3A_37 : memref<125xi32, #tpu.memory_space<vmem>>) semaphore(%dma_start3A_42 : memref<!tpu.dma_semaphore, #tpu.memory_space<semaphore_mem>>)
      %add3A_43 = arith.constant 1 : i32
      %add3A_44 = arith.addi %mul3A_27, %add3A_43 : i32
      %dma_start3A_45 = arith.constant 1 : i32
      %dma_start3A_46 = arith.constant 1 : i32
      %dma_start3A_47 = arith.constant 0 : i32
      %dma_start3A_48 = arith.constant 0 : i32
      %dma_start3A_49 = tpu.memref_slice %arg9[%dma_start3A_45, %dma_start3A_47, %dma_start3A_48] : memref<4x125x48xf32, #tpu.memory_space<vmem>> -> memref<1x125x48xf32, #tpu.memory_space<vmem>>
      %dma_start3A_50 = tpu.memref_squeeze %dma_start3A_49 : memref<1x125x48xf32, #tpu.memory_space<vmem>> -> memref<125x48xf32, #tpu.memory_space<vmem>>
      %dma_start3A_51 = arith.constant 0 : i32
      %dma_start3A_52 = tpu.memref_slice %arg7[%add3A_44, %dma_start3A_51] : memref<80x125xi32, #tpu.memory_space<vmem>> -> memref<1x125xi32, #tpu.memory_space<vmem>>
      %dma_start3A_53 = tpu.memref_squeeze %dma_start3A_52 : memref<1x125xi32, #tpu.memory_space<vmem>> -> memref<125xi32, #tpu.memory_space<vmem>>
      %dma_start3A_54 = arith.constant 0 : i32
      %dma_start3A_55 = arith.constant 0 : i32
      %dma_start3A_56 = tpu.memref_slice %arg4[%dma_start3A_54, %dma_start3A_55] : memref<10000x48xf32, #tpu.memory_space<hbm>> -> memref<10000x48xf32, #tpu.memory_space<hbm>>
      %dma_start3A_57 = tpu.memref_slice %arg12[%dma_start3A_46] : memref<4x!tpu.dma_semaphore, #tpu.memory_space<semaphore_mem>> -> memref<1x!tpu.dma_semaphore, #tpu.memory_space<semaphore_mem>>
      %dma_start3A_58 = tpu.memref_squeeze %dma_start3A_57 : memref<1x!tpu.dma_semaphore, #tpu.memory_space<semaphore_mem>> -> memref<!tpu.dma_semaphore, #tpu.memory_space<semaphore_mem>>
      tpu.enqueue_indirect_dma source(%dma_start3A_56 : memref<10000x48xf32, #tpu.memory_space<hbm>>) target(%dma_start3A_50 : memref<125x48xf32, #tpu.memory_space<vmem>>) offsets(%dma_start3A_53 : memref<125xi32, #tpu.memory_space<vmem>>) semaphore(%dma_start3A_58 : memref<!tpu.dma_semaphore, #tpu.memory_space<semaphore_mem>>)
      %add3A_59 = arith.constant 2 : i32
      %add3A_60 = arith.addi %mul3A_27, %add3A_59 : i32
      %dma_start3A_61 = arith.constant 2 : i32
      %dma_start3A_62 = arith.constant 2 : i32
      %dma_start3A_63 = arith.constant 0 : i32
      %dma_start3A_64 = arith.constant 0 : i32
      %dma_start3A_65 = tpu.memref_slice %arg9[%dma_start3A_61, %dma_start3A_63, %dma_start3A_64] : memref<4x125x48xf32, #tpu.memory_space<vmem>> -> memref<1x125x48xf32, #tpu.memory_space<vmem>>
      %dma_start3A_66 = tpu.memref_squeeze %dma_start3A_65 : memref<1x125x48xf32, #tpu.memory_space<vmem>> -> memref<125x48xf32, #tpu.memory_space<vmem>>
      %dma_start3A_67 = arith.constant 0 : i32
      %dma_start3A_68 = tpu.memref_slice %arg7[%add3A_60, %dma_start3A_67] : memref<80x125xi32, #tpu.memory_space<vmem>> -> memref<1x125xi32, #tpu.memory_space<vmem>>
      %dma_start3A_69 = tpu.memref_squeeze %dma_start3A_68 : memref<1x125xi32, #tpu.memory_space<vmem>> -> memref<125xi32, #tpu.memory_space<vmem>>
      %dma_start3A_70 = arith.constant 0 : i32
      %dma_start3A_71 = arith.constant 0 : i32
      %dma_start3A_72 = tpu.memref_slice %arg4[%dma_start3A_70, %dma_start3A_71] : memref<10000x48xf32, #tpu.memory_space<hbm>> -> memref<10000x48xf32, #tpu.memory_space<hbm>>
      %dma_start3A_73 = tpu.memref_slice %arg12[%dma_start3A_62] : memref<4x!tpu.dma_semaphore, #tpu.memory_space<semaphore_mem>> -> memref<1x!tpu.dma_semaphore, #tpu.memory_space<semaphore_mem>>
      %dma_start3A_74 = tpu.memref_squeeze %dma_start3A_73 : memref<1x!tpu.dma_semaphore, #tpu.memory_space<semaphore_mem>> -> memref<!tpu.dma_semaphore, #tpu.memory_space<semaphore_mem>>
      tpu.enqueue_indirect_dma source(%dma_start3A_72 : memref<10000x48xf32, #tpu.memory_space<hbm>>) target(%dma_start3A_66 : memref<125x48xf32, #tpu.memory_space<vmem>>) offsets(%dma_start3A_69 : memref<125xi32, #tpu.memory_space<vmem>>) semaphore(%dma_start3A_74 : memref<!tpu.dma_semaphore, #tpu.memory_space<semaphore_mem>>)
      %add3A_75 = arith.constant 3 : i32
      %add3A_76 = arith.addi %mul3A_27, %add3A_75 : i32
      %dma_start3A_77 = arith.constant 3 : i32
      %dma_start3A_78 = arith.constant 3 : i32
      %dma_start3A_79 = arith.constant 0 : i32
      %dma_start3A_80 = arith.constant 0 : i32
      %dma_start3A_81 = tpu.memref_slice %arg9[%dma_start3A_77, %dma_start3A_79, %dma_start3A_80] : memref<4x125x48xf32, #tpu.memory_space<vmem>> -> memref<1x125x48xf32, #tpu.memory_space<vmem>>
      %dma_start3A_82 = tpu.memref_squeeze %dma_start3A_81 : memref<1x125x48xf32, #tpu.memory_space<vmem>> -> memref<125x48xf32, #tpu.memory_space<vmem>>
      %dma_start3A_83 = arith.constant 0 : i32
      %dma_start3A_84 = tpu.memref_slice %arg7[%add3A_76, %dma_start3A_83] : memref<80x125xi32, #tpu.memory_space<vmem>> -> memref<1x125xi32, #tpu.memory_space<vmem>>
      %dma_start3A_85 = tpu.memref_squeeze %dma_start3A_84 : memref<1x125xi32, #tpu.memory_space<vmem>> -> memref<125xi32, #tpu.memory_space<vmem>>
      %dma_start3A_86 = arith.constant 0 : i32
      %dma_start3A_87 = arith.constant 0 : i32
      %dma_start3A_88 = tpu.memref_slice %arg4[%dma_start3A_86, %dma_start3A_87] : memref<10000x48xf32, #tpu.memory_space<hbm>> -> memref<10000x48xf32, #tpu.memory_space<hbm>>
      %dma_start3A_89 = tpu.memref_slice %arg12[%dma_start3A_78] : memref<4x!tpu.dma_semaphore, #tpu.memory_space<semaphore_mem>> -> memref<1x!tpu.dma_semaphore, #tpu.memory_space<semaphore_mem>>
      %dma_start3A_90 = tpu.memref_squeeze %dma_start3A_89 : memref<1x!tpu.dma_semaphore, #tpu.memory_space<semaphore_mem>> -> memref<!tpu.dma_semaphore, #tpu.memory_space<semaphore_mem>>
      tpu.enqueue_indirect_dma source(%dma_start3A_88 : memref<10000x48xf32, #tpu.memory_space<hbm>>) target(%dma_start3A_82 : memref<125x48xf32, #tpu.memory_space<vmem>>) offsets(%dma_start3A_85 : memref<125xi32, #tpu.memory_space<vmem>>) semaphore(%dma_start3A_90 : memref<!tpu.dma_semaphore, #tpu.memory_space<semaphore_mem>>)
      %dma_wait3A = arith.constant 0 : i32
      %dma_wait3A_91 = arith.constant 0 : i32
      %dma_wait3A_92 = arith.constant 0 : i32
      %dma_wait3A_93 = arith.constant 0 : i32
      %dma_wait3A_94 = tpu.memref_slice %arg9[%dma_wait3A, %dma_wait3A_92, %dma_wait3A_93] : memref<4x125x48xf32, #tpu.memory_space<vmem>> -> memref<1x125x48xf32, #tpu.memory_space<vmem>>
      %dma_wait3A_95 = tpu.memref_squeeze %dma_wait3A_94 : memref<1x125x48xf32, #tpu.memory_space<vmem>> -> memref<125x48xf32, #tpu.memory_space<vmem>>
      %dma_wait3A_96 = arith.constant 0 : i32
      %dma_wait3A_97 = tpu.memref_slice %arg7[%add3A_29, %dma_wait3A_96] : memref<80x125xi32, #tpu.memory_space<vmem>> -> memref<1x125xi32, #tpu.memory_space<vmem>>
      %dma_wait3A_98 = tpu.memref_squeeze %dma_wait3A_97 : memref<1x125xi32, #tpu.memory_space<vmem>> -> memref<125xi32, #tpu.memory_space<vmem>>
      %dma_wait3A_99 = arith.constant 0 : i32
      %dma_wait3A_100 = arith.constant 0 : i32
      %dma_wait3A_101 = tpu.memref_slice %arg4[%dma_wait3A_99, %dma_wait3A_100] : memref<10000x48xf32, #tpu.memory_space<hbm>> -> memref<10000x48xf32, #tpu.memory_space<hbm>>
      %dma_wait3A_102 = tpu.memref_slice %arg12[%dma_wait3A_91] : memref<4x!tpu.dma_semaphore, #tpu.memory_space<semaphore_mem>> -> memref<1x!tpu.dma_semaphore, #tpu.memory_space<semaphore_mem>>
      %dma_wait3A_103 = tpu.memref_squeeze %dma_wait3A_102 : memref<1x!tpu.dma_semaphore, #tpu.memory_space<semaphore_mem>> -> memref<!tpu.dma_semaphore, #tpu.memory_space<semaphore_mem>>
      tpu.wait_indirect_dma semaphore(%dma_wait3A_103 : memref<!tpu.dma_semaphore, #tpu.memory_space<semaphore_mem>>) src(%dma_wait3A_101 : memref<10000x48xf32, #tpu.memory_space<hbm>>) dst(%dma_wait3A_95 : memref<125x48xf32, #tpu.memory_space<vmem>>)
      %add3A_104 = arith.constant 0 : i32
      %add3A_105 = arith.addi %mul3A_27, %add3A_104 : i32
      %run_scoped3A = arith.constant 0 : i32
      "tpu.region"() ({
        %run_scoped3A_157 = tpu.sem_alloc : memref<!tpu.dma_semaphore, #tpu.memory_space<semaphore_mem>>
        %dma_start3A_158 = arith.constant 0 : i32
        %dma_start3A_159 = arith.constant 0 : i32
        %dma_start3A_160 = tpu.memref_slice %arg9[%run_scoped3A, %dma_start3A_158, %dma_start3A_159] : memref<4x125x48xf32, #tpu.memory_space<vmem>> -> memref<1x125x48xf32, #tpu.memory_space<vmem>>
        %dma_start3A_161 = tpu.memref_squeeze %dma_start3A_160 : memref<1x125x48xf32, #tpu.memory_space<vmem>> -> memref<125x48xf32, #tpu.memory_space<vmem>>
        %dma_start3A_162 = arith.constant 0 : i32
        %dma_start3A_163 = tpu.memref_slice %arg8[%add3A_105, %dma_start3A_162] : memref<80x125xi32, #tpu.memory_space<vmem>> -> memref<1x125xi32, #tpu.memory_space<vmem>>
        %dma_start3A_164 = tpu.memref_squeeze %dma_start3A_163 : memref<1x125xi32, #tpu.memory_space<vmem>> -> memref<125xi32, #tpu.memory_space<vmem>>
        %dma_start3A_165 = arith.constant 0 : i32
        %dma_start3A_166 = arith.constant 0 : i32
        %dma_start3A_167 = tpu.memref_slice %arg10[%dma_start3A_165, %dma_start3A_166] : memref<10000x48xf32, #tpu.memory_space<vmem_shared>> -> memref<10000x48xf32, #tpu.memory_space<vmem_shared>>
        tpu.enqueue_indirect_dma source(%dma_start3A_161 : memref<125x48xf32, #tpu.memory_space<vmem>>) target(%dma_start3A_167 : memref<10000x48xf32, #tpu.memory_space<vmem_shared>>) offsets(%dma_start3A_164 : memref<125xi32, #tpu.memory_space<vmem>>) semaphore(%run_scoped3A_157 : memref<!tpu.dma_semaphore, #tpu.memory_space<semaphore_mem>>) {add = true}
        %dma_wait3A_168 = arith.constant 0 : i32
        %dma_wait3A_169 = arith.constant 0 : i32
        %dma_wait3A_170 = tpu.memref_slice %arg9[%run_scoped3A, %dma_wait3A_168, %dma_wait3A_169] : memref<4x125x48xf32, #tpu.memory_space<vmem>> -> memref<1x125x48xf32, #tpu.memory_space<vmem>>
        %dma_wait3A_171 = tpu.memref_squeeze %dma_wait3A_170 : memref<1x125x48xf32, #tpu.memory_space<vmem>> -> memref<125x48xf32, #tpu.memory_space<vmem>>
        %dma_wait3A_172 = arith.constant 0 : i32
        %dma_wait3A_173 = tpu.memref_slice %arg8[%add3A_105, %dma_wait3A_172] : memref<80x125xi32, #tpu.memory_space<vmem>> -> memref<1x125xi32, #tpu.memory_space<vmem>>
        %dma_wait3A_174 = tpu.memref_squeeze %dma_wait3A_173 : memref<1x125xi32, #tpu.memory_space<vmem>> -> memref<125xi32, #tpu.memory_space<vmem>>
        %dma_wait3A_175 = arith.constant 0 : i32
        %dma_wait3A_176 = arith.constant 0 : i32
        %dma_wait3A_177 = tpu.memref_slice %arg10[%dma_wait3A_175, %dma_wait3A_176] : memref<10000x48xf32, #tpu.memory_space<vmem_shared>> -> memref<10000x48xf32, #tpu.memory_space<vmem_shared>>
        tpu.wait_indirect_dma semaphore(%run_scoped3A_157 : memref<!tpu.dma_semaphore, #tpu.memory_space<semaphore_mem>>) src(%dma_wait3A_171 : memref<125x48xf32, #tpu.memory_space<vmem>>) dst(%dma_wait3A_177 : memref<10000x48xf32, #tpu.memory_space<vmem_shared>>)
        tpu.yield
      }) : () -> ()
      %dma_wait3A_106 = arith.constant 1 : i32
      %dma_wait3A_107 = arith.constant 1 : i32
      %dma_wait3A_108 = arith.constant 0 : i32
      %dma_wait3A_109 = arith.constant 0 : i32
      %dma_wait3A_110 = tpu.memref_slice %arg9[%dma_wait3A_106, %dma_wait3A_108, %dma_wait3A_109] : memref<4x125x48xf32, #tpu.memory_space<vmem>> -> memref<1x125x48xf32, #tpu.memory_space<vmem>>
      %dma_wait3A_111 = tpu.memref_squeeze %dma_wait3A_110 : memref<1x125x48xf32, #tpu.memory_space<vmem>> -> memref<125x48xf32, #tpu.memory_space<vmem>>
      %dma_wait3A_112 = arith.constant 0 : i32
      %dma_wait3A_113 = tpu.memref_slice %arg7[%add3A_44, %dma_wait3A_112] : memref<80x125xi32, #tpu.memory_space<vmem>> -> memref<1x125xi32, #tpu.memory_space<vmem>>
      %dma_wait3A_114 = tpu.memref_squeeze %dma_wait3A_113 : memref<1x125xi32, #tpu.memory_space<vmem>> -> memref<125xi32, #tpu.memory_space<vmem>>
      %dma_wait3A_115 = arith.constant 0 : i32
      %dma_wait3A_116 = arith.constant 0 : i32
      %dma_wait3A_117 = tpu.memref_slice %arg4[%dma_wait3A_115, %dma_wait3A_116] : memref<10000x48xf32, #tpu.memory_space<hbm>> -> memref<10000x48xf32, #tpu.memory_space<hbm>>
      %dma_wait3A_118 = tpu.memref_slice %arg12[%dma_wait3A_107] : memref<4x!tpu.dma_semaphore, #tpu.memory_space<semaphore_mem>> -> memref<1x!tpu.dma_semaphore, #tpu.memory_space<semaphore_mem>>
      %dma_wait3A_119 = tpu.memref_squeeze %dma_wait3A_118 : memref<1x!tpu.dma_semaphore, #tpu.memory_space<semaphore_mem>> -> memref<!tpu.dma_semaphore, #tpu.memory_space<semaphore_mem>>
      tpu.wait_indirect_dma semaphore(%dma_wait3A_119 : memref<!tpu.dma_semaphore, #tpu.memory_space<semaphore_mem>>) src(%dma_wait3A_117 : memref<10000x48xf32, #tpu.memory_space<hbm>>) dst(%dma_wait3A_111 : memref<125x48xf32, #tpu.memory_space<vmem>>)
      %add3A_120 = arith.constant 1 : i32
      %add3A_121 = arith.addi %mul3A_27, %add3A_120 : i32
      %run_scoped3A_122 = arith.constant 1 : i32
      "tpu.region"() ({
        %run_scoped3A_157 = tpu.sem_alloc : memref<!tpu.dma_semaphore, #tpu.memory_space<semaphore_mem>>
        %dma_start3A_158 = arith.constant 0 : i32
        %dma_start3A_159 = arith.constant 0 : i32
        %dma_start3A_160 = tpu.memref_slice %arg9[%run_scoped3A_122, %dma_start3A_158, %dma_start3A_159] : memref<4x125x48xf32, #tpu.memory_space<vmem>> -> memref<1x125x48xf32, #tpu.memory_space<vmem>>
        %dma_start3A_161 = tpu.memref_squeeze %dma_start3A_160 : memref<1x125x48xf32, #tpu.memory_space<vmem>> -> memref<125x48xf32, #tpu.memory_space<vmem>>
        %dma_start3A_162 = arith.constant 0 : i32
        %dma_start3A_163 = tpu.memref_slice %arg8[%add3A_121, %dma_start3A_162] : memref<80x125xi32, #tpu.memory_space<vmem>> -> memref<1x125xi32, #tpu.memory_space<vmem>>
        %dma_start3A_164 = tpu.memref_squeeze %dma_start3A_163 : memref<1x125xi32, #tpu.memory_space<vmem>> -> memref<125xi32, #tpu.memory_space<vmem>>
        %dma_start3A_165 = arith.constant 0 : i32
        %dma_start3A_166 = arith.constant 0 : i32
        %dma_start3A_167 = tpu.memref_slice %arg10[%dma_start3A_165, %dma_start3A_166] : memref<10000x48xf32, #tpu.memory_space<vmem_shared>> -> memref<10000x48xf32, #tpu.memory_space<vmem_shared>>
        tpu.enqueue_indirect_dma source(%dma_start3A_161 : memref<125x48xf32, #tpu.memory_space<vmem>>) target(%dma_start3A_167 : memref<10000x48xf32, #tpu.memory_space<vmem_shared>>) offsets(%dma_start3A_164 : memref<125xi32, #tpu.memory_space<vmem>>) semaphore(%run_scoped3A_157 : memref<!tpu.dma_semaphore, #tpu.memory_space<semaphore_mem>>) {add = true}
        %dma_wait3A_168 = arith.constant 0 : i32
        %dma_wait3A_169 = arith.constant 0 : i32
        %dma_wait3A_170 = tpu.memref_slice %arg9[%run_scoped3A_122, %dma_wait3A_168, %dma_wait3A_169] : memref<4x125x48xf32, #tpu.memory_space<vmem>> -> memref<1x125x48xf32, #tpu.memory_space<vmem>>
        %dma_wait3A_171 = tpu.memref_squeeze %dma_wait3A_170 : memref<1x125x48xf32, #tpu.memory_space<vmem>> -> memref<125x48xf32, #tpu.memory_space<vmem>>
        %dma_wait3A_172 = arith.constant 0 : i32
        %dma_wait3A_173 = tpu.memref_slice %arg8[%add3A_121, %dma_wait3A_172] : memref<80x125xi32, #tpu.memory_space<vmem>> -> memref<1x125xi32, #tpu.memory_space<vmem>>
        %dma_wait3A_174 = tpu.memref_squeeze %dma_wait3A_173 : memref<1x125xi32, #tpu.memory_space<vmem>> -> memref<125xi32, #tpu.memory_space<vmem>>
        %dma_wait3A_175 = arith.constant 0 : i32
        %dma_wait3A_176 = arith.constant 0 : i32
        %dma_wait3A_177 = tpu.memref_slice %arg10[%dma_wait3A_175, %dma_wait3A_176] : memref<10000x48xf32, #tpu.memory_space<vmem_shared>> -> memref<10000x48xf32, #tpu.memory_space<vmem_shared>>
        tpu.wait_indirect_dma semaphore(%run_scoped3A_157 : memref<!tpu.dma_semaphore, #tpu.memory_space<semaphore_mem>>) src(%dma_wait3A_171 : memref<125x48xf32, #tpu.memory_space<vmem>>) dst(%dma_wait3A_177 : memref<10000x48xf32, #tpu.memory_space<vmem_shared>>)
        tpu.yield
      }) : () -> ()
      %dma_wait3A_123 = arith.constant 2 : i32
      %dma_wait3A_124 = arith.constant 2 : i32
      %dma_wait3A_125 = arith.constant 0 : i32
      %dma_wait3A_126 = arith.constant 0 : i32
      %dma_wait3A_127 = tpu.memref_slice %arg9[%dma_wait3A_123, %dma_wait3A_125, %dma_wait3A_126] : memref<4x125x48xf32, #tpu.memory_space<vmem>> -> memref<1x125x48xf32, #tpu.memory_space<vmem>>
      %dma_wait3A_128 = tpu.memref_squeeze %dma_wait3A_127 : memref<1x125x48xf32, #tpu.memory_space<vmem>> -> memref<125x48xf32, #tpu.memory_space<vmem>>
      %dma_wait3A_129 = arith.constant 0 : i32
      %dma_wait3A_130 = tpu.memref_slice %arg7[%add3A_60, %dma_wait3A_129] : memref<80x125xi32, #tpu.memory_space<vmem>> -> memref<1x125xi32, #tpu.memory_space<vmem>>
      %dma_wait3A_131 = tpu.memref_squeeze %dma_wait3A_130 : memref<1x125xi32, #tpu.memory_space<vmem>> -> memref<125xi32, #tpu.memory_space<vmem>>
      %dma_wait3A_132 = arith.constant 0 : i32
      %dma_wait3A_133 = arith.constant 0 : i32
      %dma_wait3A_134 = tpu.memref_slice %arg4[%dma_wait3A_132, %dma_wait3A_133] : memref<10000x48xf32, #tpu.memory_space<hbm>> -> memref<10000x48xf32, #tpu.memory_space<hbm>>
      %dma_wait3A_135 = tpu.memref_slice %arg12[%dma_wait3A_124] : memref<4x!tpu.dma_semaphore, #tpu.memory_space<semaphore_mem>> -> memref<1x!tpu.dma_semaphore, #tpu.memory_space<semaphore_mem>>
      %dma_wait3A_136 = tpu.memref_squeeze %dma_wait3A_135 : memref<1x!tpu.dma_semaphore, #tpu.memory_space<semaphore_mem>> -> memref<!tpu.dma_semaphore, #tpu.memory_space<semaphore_mem>>
      tpu.wait_indirect_dma semaphore(%dma_wait3A_136 : memref<!tpu.dma_semaphore, #tpu.memory_space<semaphore_mem>>) src(%dma_wait3A_134 : memref<10000x48xf32, #tpu.memory_space<hbm>>) dst(%dma_wait3A_128 : memref<125x48xf32, #tpu.memory_space<vmem>>)
      %add3A_137 = arith.constant 2 : i32
      %add3A_138 = arith.addi %mul3A_27, %add3A_137 : i32
      %run_scoped3A_139 = arith.constant 2 : i32
      "tpu.region"() ({
        %run_scoped3A_157 = tpu.sem_alloc : memref<!tpu.dma_semaphore, #tpu.memory_space<semaphore_mem>>
        %dma_start3A_158 = arith.constant 0 : i32
        %dma_start3A_159 = arith.constant 0 : i32
        %dma_start3A_160 = tpu.memref_slice %arg9[%run_scoped3A_139, %dma_start3A_158, %dma_start3A_159] : memref<4x125x48xf32, #tpu.memory_space<vmem>> -> memref<1x125x48xf32, #tpu.memory_space<vmem>>
        %dma_start3A_161 = tpu.memref_squeeze %dma_start3A_160 : memref<1x125x48xf32, #tpu.memory_space<vmem>> -> memref<125x48xf32, #tpu.memory_space<vmem>>
        %dma_start3A_162 = arith.constant 0 : i32
        %dma_start3A_163 = tpu.memref_slice %arg8[%add3A_138, %dma_start3A_162] : memref<80x125xi32, #tpu.memory_space<vmem>> -> memref<1x125xi32, #tpu.memory_space<vmem>>
        %dma_start3A_164 = tpu.memref_squeeze %dma_start3A_163 : memref<1x125xi32, #tpu.memory_space<vmem>> -> memref<125xi32, #tpu.memory_space<vmem>>
        %dma_start3A_165 = arith.constant 0 : i32
        %dma_start3A_166 = arith.constant 0 : i32
        %dma_start3A_167 = tpu.memref_slice %arg10[%dma_start3A_165, %dma_start3A_166] : memref<10000x48xf32, #tpu.memory_space<vmem_shared>> -> memref<10000x48xf32, #tpu.memory_space<vmem_shared>>
        tpu.enqueue_indirect_dma source(%dma_start3A_161 : memref<125x48xf32, #tpu.memory_space<vmem>>) target(%dma_start3A_167 : memref<10000x48xf32, #tpu.memory_space<vmem_shared>>) offsets(%dma_start3A_164 : memref<125xi32, #tpu.memory_space<vmem>>) semaphore(%run_scoped3A_157 : memref<!tpu.dma_semaphore, #tpu.memory_space<semaphore_mem>>) {add = true}
        %dma_wait3A_168 = arith.constant 0 : i32
        %dma_wait3A_169 = arith.constant 0 : i32
        %dma_wait3A_170 = tpu.memref_slice %arg9[%run_scoped3A_139, %dma_wait3A_168, %dma_wait3A_169] : memref<4x125x48xf32, #tpu.memory_space<vmem>> -> memref<1x125x48xf32, #tpu.memory_space<vmem>>
        %dma_wait3A_171 = tpu.memref_squeeze %dma_wait3A_170 : memref<1x125x48xf32, #tpu.memory_space<vmem>> -> memref<125x48xf32, #tpu.memory_space<vmem>>
        %dma_wait3A_172 = arith.constant 0 : i32
        %dma_wait3A_173 = tpu.memref_slice %arg8[%add3A_138, %dma_wait3A_172] : memref<80x125xi32, #tpu.memory_space<vmem>> -> memref<1x125xi32, #tpu.memory_space<vmem>>
        %dma_wait3A_174 = tpu.memref_squeeze %dma_wait3A_173 : memref<1x125xi32, #tpu.memory_space<vmem>> -> memref<125xi32, #tpu.memory_space<vmem>>
        %dma_wait3A_175 = arith.constant 0 : i32
        %dma_wait3A_176 = arith.constant 0 : i32
        %dma_wait3A_177 = tpu.memref_slice %arg10[%dma_wait3A_175, %dma_wait3A_176] : memref<10000x48xf32, #tpu.memory_space<vmem_shared>> -> memref<10000x48xf32, #tpu.memory_space<vmem_shared>>
        tpu.wait_indirect_dma semaphore(%run_scoped3A_157 : memref<!tpu.dma_semaphore, #tpu.memory_space<semaphore_mem>>) src(%dma_wait3A_171 : memref<125x48xf32, #tpu.memory_space<vmem>>) dst(%dma_wait3A_177 : memref<10000x48xf32, #tpu.memory_space<vmem_shared>>)
        tpu.yield
      }) : () -> ()
      %dma_wait3A_140 = arith.constant 3 : i32
      %dma_wait3A_141 = arith.constant 3 : i32
      %dma_wait3A_142 = arith.constant 0 : i32
      %dma_wait3A_143 = arith.constant 0 : i32
      %dma_wait3A_144 = tpu.memref_slice %arg9[%dma_wait3A_140, %dma_wait3A_142, %dma_wait3A_143] : memref<4x125x48xf32, #tpu.memory_space<vmem>> -> memref<1x125x48xf32, #tpu.memory_space<vmem>>
      %dma_wait3A_145 = tpu.memref_squeeze %dma_wait3A_144 : memref<1x125x48xf32, #tpu.memory_space<vmem>> -> memref<125x48xf32, #tpu.memory_space<vmem>>
      %dma_wait3A_146 = arith.constant 0 : i32
      %dma_wait3A_147 = tpu.memref_slice %arg7[%add3A_76, %dma_wait3A_146] : memref<80x125xi32, #tpu.memory_space<vmem>> -> memref<1x125xi32, #tpu.memory_space<vmem>>
      %dma_wait3A_148 = tpu.memref_squeeze %dma_wait3A_147 : memref<1x125xi32, #tpu.memory_space<vmem>> -> memref<125xi32, #tpu.memory_space<vmem>>
      %dma_wait3A_149 = arith.constant 0 : i32
      %dma_wait3A_150 = arith.constant 0 : i32
      %dma_wait3A_151 = tpu.memref_slice %arg4[%dma_wait3A_149, %dma_wait3A_150] : memref<10000x48xf32, #tpu.memory_space<hbm>> -> memref<10000x48xf32, #tpu.memory_space<hbm>>
      %dma_wait3A_152 = tpu.memref_slice %arg12[%dma_wait3A_141] : memref<4x!tpu.dma_semaphore, #tpu.memory_space<semaphore_mem>> -> memref<1x!tpu.dma_semaphore, #tpu.memory_space<semaphore_mem>>
      %dma_wait3A_153 = tpu.memref_squeeze %dma_wait3A_152 : memref<1x!tpu.dma_semaphore, #tpu.memory_space<semaphore_mem>> -> memref<!tpu.dma_semaphore, #tpu.memory_space<semaphore_mem>>
      tpu.wait_indirect_dma semaphore(%dma_wait3A_153 : memref<!tpu.dma_semaphore, #tpu.memory_space<semaphore_mem>>) src(%dma_wait3A_151 : memref<10000x48xf32, #tpu.memory_space<hbm>>) dst(%dma_wait3A_145 : memref<125x48xf32, #tpu.memory_space<vmem>>)
      %add3A_154 = arith.constant 3 : i32
      %add3A_155 = arith.addi %mul3A_27, %add3A_154 : i32
      %run_scoped3A_156 = arith.constant 3 : i32
      "tpu.region"() ({
        %run_scoped3A_157 = tpu.sem_alloc : memref<!tpu.dma_semaphore, #tpu.memory_space<semaphore_mem>>
        %dma_start3A_158 = arith.constant 0 : i32
        %dma_start3A_159 = arith.constant 0 : i32
        %dma_start3A_160 = tpu.memref_slice %arg9[%run_scoped3A_156, %dma_start3A_158, %dma_start3A_159] : memref<4x125x48xf32, #tpu.memory_space<vmem>> -> memref<1x125x48xf32, #tpu.memory_space<vmem>>
        %dma_start3A_161 = tpu.memref_squeeze %dma_start3A_160 : memref<1x125x48xf32, #tpu.memory_space<vmem>> -> memref<125x48xf32, #tpu.memory_space<vmem>>
        %dma_start3A_162 = arith.constant 0 : i32
        %dma_start3A_163 = tpu.memref_slice %arg8[%add3A_155, %dma_start3A_162] : memref<80x125xi32, #tpu.memory_space<vmem>> -> memref<1x125xi32, #tpu.memory_space<vmem>>
        %dma_start3A_164 = tpu.memref_squeeze %dma_start3A_163 : memref<1x125xi32, #tpu.memory_space<vmem>> -> memref<125xi32, #tpu.memory_space<vmem>>
        %dma_start3A_165 = arith.constant 0 : i32
        %dma_start3A_166 = arith.constant 0 : i32
        %dma_start3A_167 = tpu.memref_slice %arg10[%dma_start3A_165, %dma_start3A_166] : memref<10000x48xf32, #tpu.memory_space<vmem_shared>> -> memref<10000x48xf32, #tpu.memory_space<vmem_shared>>
        tpu.enqueue_indirect_dma source(%dma_start3A_161 : memref<125x48xf32, #tpu.memory_space<vmem>>) target(%dma_start3A_167 : memref<10000x48xf32, #tpu.memory_space<vmem_shared>>) offsets(%dma_start3A_164 : memref<125xi32, #tpu.memory_space<vmem>>) semaphore(%run_scoped3A_157 : memref<!tpu.dma_semaphore, #tpu.memory_space<semaphore_mem>>) {add = true}
        %dma_wait3A_168 = arith.constant 0 : i32
        %dma_wait3A_169 = arith.constant 0 : i32
        %dma_wait3A_170 = tpu.memref_slice %arg9[%run_scoped3A_156, %dma_wait3A_168, %dma_wait3A_169] : memref<4x125x48xf32, #tpu.memory_space<vmem>> -> memref<1x125x48xf32, #tpu.memory_space<vmem>>
        %dma_wait3A_171 = tpu.memref_squeeze %dma_wait3A_170 : memref<1x125x48xf32, #tpu.memory_space<vmem>> -> memref<125x48xf32, #tpu.memory_space<vmem>>
        %dma_wait3A_172 = arith.constant 0 : i32
        %dma_wait3A_173 = tpu.memref_slice %arg8[%add3A_155, %dma_wait3A_172] : memref<80x125xi32, #tpu.memory_space<vmem>> -> memref<1x125xi32, #tpu.memory_space<vmem>>
        %dma_wait3A_174 = tpu.memref_squeeze %dma_wait3A_173 : memref<1x125xi32, #tpu.memory_space<vmem>> -> memref<125xi32, #tpu.memory_space<vmem>>
        %dma_wait3A_175 = arith.constant 0 : i32
        %dma_wait3A_176 = arith.constant 0 : i32
        %dma_wait3A_177 = tpu.memref_slice %arg10[%dma_wait3A_175, %dma_wait3A_176] : memref<10000x48xf32, #tpu.memory_space<vmem_shared>> -> memref<10000x48xf32, #tpu.memory_space<vmem_shared>>
        tpu.wait_indirect_dma semaphore(%run_scoped3A_157 : memref<!tpu.dma_semaphore, #tpu.memory_space<semaphore_mem>>) src(%dma_wait3A_171 : memref<125x48xf32, #tpu.memory_space<vmem>>) dst(%dma_wait3A_177 : memref<10000x48xf32, #tpu.memory_space<vmem_shared>>)
        tpu.yield
      }) : () -> ()
    }
    %scan3A_15 = arith.constant 20 : i32
    %scan3A_16 = arith.constant 1 : i32
    %barrier3A_17 = arith.constant 0 : index
    tpu.barrier barrier_id(%barrier3A_17)
    %mul3A_18 = arith.constant 625 : i32
    %mul3A_19 = arith.muli %arg1, %mul3A_18 : i32
    %mul3A_20 = arith.constant 10000 : i32
    %mul3A_21 = arith.muli %arg0, %mul3A_20 : i32
    %mul3A_22 = arith.constant 625 : i32
    %mul3A_23 = arith.muli %arg1, %mul3A_22 : i32
    %add3A_24 = arith.addi %mul3A_21, %mul3A_23 : i32
    "tpu.region"() ({
      %run_scoped3A = tpu.sem_alloc : memref<!tpu.dma_semaphore, #tpu.memory_space<semaphore_mem>>
      %dma_start3A = arith.constant 0 : i32
      %dma_start3A_25 = tpu.memref_slice %arg6[%add3A_24, %dma_start3A] : memref<20000x48xf32, #tpu.memory_space<hbm>> -> memref<625x48xf32, #tpu.memory_space<hbm>>
      %dma_start3A_26 = arith.constant 0 : i32
      %dma_start3A_27 = tpu.memref_slice %arg10[%mul3A_19, %dma_start3A_26] : memref<10000x48xf32, #tpu.memory_space<vmem_shared>> -> memref<625x48xf32, #tpu.memory_space<vmem_shared>>
      tpu.enqueue_dma source(%dma_start3A_27 : memref<625x48xf32, #tpu.memory_space<vmem_shared>>) target(%dma_start3A_25 : memref<625x48xf32, #tpu.memory_space<hbm>>) target_semaphore(%run_scoped3A : memref<!tpu.dma_semaphore, #tpu.memory_space<semaphore_mem>>)
      %dma_wait3A = arith.constant 0 : i32
      %dma_wait3A_28 = tpu.memref_slice %arg6[%add3A_24, %dma_wait3A] : memref<20000x48xf32, #tpu.memory_space<hbm>> -> memref<625x48xf32, #tpu.memory_space<hbm>>
      %dma_wait3A_29 = arith.constant 0 : i32
      %dma_wait3A_30 = tpu.memref_slice %arg10[%mul3A_19, %dma_wait3A_29] : memref<10000x48xf32, #tpu.memory_space<vmem_shared>> -> memref<625x48xf32, #tpu.memory_space<vmem_shared>>
      tpu.wait_dma2 semaphore(%run_scoped3A : memref<!tpu.dma_semaphore, #tpu.memory_space<semaphore_mem>>) src(%dma_wait3A_30 : memref<625x48xf32, #tpu.memory_space<vmem_shared>>) dst(%dma_wait3A_28 : memref<625x48xf32, #tpu.memory_space<hbm>>)
      tpu.yield
    }) : () -> ()
    return
  }
}

module attributes {stable_mosaic.version = 14 : i64} {
  func.func @_tc1_body(%arg0: i32, %arg1: memref<1000x128xf32, #tpu.memory_space<vmem>>, %arg2: memref<128x128xf32, #tpu.memory_space<vmem>>, %arg3: memref<1000x16xf32, #tpu.memory_space<vmem>>, %arg4: memref<1000x16xf32, #tpu.memory_space<vmem>>, %arg5: memref<1000x128xf32, #tpu.memory_space<vmem>>) attributes {dimension_semantics = [#tpu.dimension_semantics<arbitrary>], iteration_bounds = array<i64: 10>, scalar_prefetch = 0 : i64, scratch_operands = 0 : i64, tpu.core_type = #tpu.core_type<tc>, window_params = [{transform_indices = @transform_0, window_bounds = array<i64: 1000, 128>}, {pipeline_mode = #tpu.pipeline_mode<synchronous>, transform_indices = @transform_1, window_bounds = array<i64: 128, 128>}, {transform_indices = @transform_2, window_bounds = array<i64: 1000, 16>}, {transform_indices = @transform_3, window_bounds = array<i64: 1000, 16>}, {transform_indices = @transform_4, window_bounds = array<i64: 1000, 128>}]} {
    %get3A = arith.constant 0 : index
    %get3A_0 = arith.constant 0 : index
    %get3A_1 = vector.load %arg3[%get3A, %get3A_0] : memref<1000x16xf32, #tpu.memory_space<vmem>>, vector<1000x1xf32>
    %get3A_2 = arith.constant 0 : index
    %get3A_3 = arith.constant 0 : index
    %get3A_4 = vector.load %arg4[%get3A_2, %get3A_3] : memref<1000x16xf32, #tpu.memory_space<vmem>>, vector<1000x1xf32>
    %add3A = arith.addf %get3A_1, %get3A_4 : vector<1000x1xf32>
    %add3A_5 = arith.constant 1.000000e+00 : f32
    %add3A_6 = vector.broadcast %add3A_5 : f32 to vector<1000x1xf32>
    %add3A_7 = arith.addf %add3A, %add3A_6 : vector<1000x1xf32>
    %rsqrt3A = math.rsqrt %add3A_7 : vector<1000x1xf32>
    %get3A_8 = arith.constant 0 : index
    %get3A_9 = arith.constant 0 : index
    %get3A_10 = vector.load %arg1[%get3A_8, %get3A_9] : memref<1000x128xf32, #tpu.memory_space<vmem>>, vector<1000x128xf32>
    %get3A_11 = arith.constant 0 : index
    %get3A_12 = arith.constant 0 : index
    %get3A_13 = vector.load %arg2[%get3A_11, %get3A_12] : memref<128x128xf32, #tpu.memory_space<vmem>>, vector<128x128xf32>
    %dot_general3A = arith.constant dense<0.000000e+00> : vector<1000x128xf32>
    %dot_general3A_14 = tpu.matmul %get3A_10, %get3A_13, %dot_general3A {dimension_numbers = #tpu.dot_dimension_numbers<[1], [0], [0], [1], [0, 0, 1, 1], [], []>, transpose_lhs_hint = false} : vector<1000x128xf32>, vector<128x128xf32>, vector<1000x128xf32> -> vector<1000x128xf32>
    %mul3A = vector.broadcast %rsqrt3A : vector<1000x1xf32> to vector<1000x128xf32>
    %mul3A_15 = arith.mulf %dot_general3A_14, %mul3A : vector<1000x128xf32>
    %swap3A = arith.constant 0 : index
    %swap3A_16 = arith.constant 0 : index
    %swap3A_17 = vector.load %arg5[%swap3A, %swap3A_16] : memref<1000x128xf32, #tpu.memory_space<vmem>>, vector<1000x128xf32>
    tpu.vector_store %arg5[%swap3A, %swap3A_16], %mul3A_15 {strides = array<i32>} : memref<1000x128xf32, #tpu.memory_space<vmem>>, vector<1000x128xf32>,
    return
  }
  func.func @transform_0(%arg0: i32) -> (i32, i32) {
    %c0_i32 = arith.constant 0 : i32
    %c0_i32_0 = arith.constant 0 : i32
    return %arg0, %c0_i32 : i32, i32
  }
  func.func @transform_1(%arg0: i32) -> (i32, i32) {
    %c0_i32 = arith.constant 0 : i32
    %c0_i32_0 = arith.constant 0 : i32
    %c0_i32_1 = arith.constant 0 : i32
    return %c0_i32, %c0_i32_0 : i32, i32
  }
  func.func @transform_2(%arg0: i32) -> (i32, i32) {
    %add3A = arith.constant 0 : i32
    %add3A_0 = arith.addi %arg0, %add3A : i32
    %c0_i32 = arith.constant 0 : i32
    %c0_i32_1 = arith.constant 0 : i32
    return %add3A_0, %c0_i32 : i32, i32
  }
  func.func @transform_3(%arg0: i32) -> (i32, i32) {
    %add3A = arith.constant 10 : i32
    %add3A_0 = arith.addi %arg0, %add3A : i32
    %c0_i32 = arith.constant 0 : i32
    %c0_i32_1 = arith.constant 0 : i32
    return %add3A_0, %c0_i32 : i32, i32
  }
  func.func @transform_4(%arg0: i32) -> (i32, i32) {
    %c0_i32 = arith.constant 0 : i32
    %c0_i32_0 = arith.constant 0 : i32
    return %arg0, %c0_i32 : i32, i32
  }
}

module attributes {stable_mosaic.version = 14 : i64} {
  func.func @_tc2_body(%arg0: i32, %arg1: memref<1000x128xf32, #tpu.memory_space<vmem>>, %arg2: memref<1000x128xf32, #tpu.memory_space<vmem>>, %arg3: memref<1000x128xf32, #tpu.memory_space<vmem>>, %arg4: memref<1000x16xf32, #tpu.memory_space<vmem>>, %arg5: memref<1000x16xf32, #tpu.memory_space<vmem>>, %arg6: memref<1x128xf32, #tpu.memory_space<vmem>>, %arg7: memref<128x48xf32, #tpu.memory_space<vmem>>, %arg8: memref<1000x128xf32, #tpu.memory_space<vmem>>, %arg9: memref<1000x48xf32, #tpu.memory_space<vmem>>) attributes {dimension_semantics = [#tpu.dimension_semantics<arbitrary>], iteration_bounds = array<i64: 10>, scalar_prefetch = 0 : i64, scratch_operands = 0 : i64, tpu.core_type = #tpu.core_type<tc>, window_params = [{transform_indices = @transform_0, window_bounds = array<i64: 1000, 128>}, {transform_indices = @transform_1, window_bounds = array<i64: 1000, 128>}, {transform_indices = @transform_2, window_bounds = array<i64: 1000, 128>}, {transform_indices = @transform_3, window_bounds = array<i64: 1000, 16>}, {transform_indices = @transform_4, window_bounds = array<i64: 1000, 16>}, {pipeline_mode = #tpu.pipeline_mode<synchronous>, transform_indices = @transform_5, window_bounds = array<i64: 1, 128>}, {pipeline_mode = #tpu.pipeline_mode<synchronous>, transform_indices = @transform_6, window_bounds = array<i64: 128, 48>}, {transform_indices = @transform_7, window_bounds = array<i64: 1000, 128>}, {transform_indices = @transform_8, window_bounds = array<i64: 1000, 48>}]} {
    %get3A = arith.constant 0 : index
    %get3A_0 = arith.constant 0 : index
    %get3A_1 = vector.load %arg4[%get3A, %get3A_0] : memref<1000x16xf32, #tpu.memory_space<vmem>>, vector<1000x1xf32>
    %get3A_2 = arith.constant 0 : index
    %get3A_3 = arith.constant 0 : index
    %get3A_4 = vector.load %arg5[%get3A_2, %get3A_3] : memref<1000x16xf32, #tpu.memory_space<vmem>>, vector<1000x1xf32>
    %add3A = arith.addf %get3A_1, %get3A_4 : vector<1000x1xf32>
    %add3A_5 = arith.constant 1.000000e+00 : f32
    %add3A_6 = vector.broadcast %add3A_5 : f32 to vector<1000x1xf32>
    %add3A_7 = arith.addf %add3A, %add3A_6 : vector<1000x1xf32>
    %rsqrt3A = math.rsqrt %add3A_7 : vector<1000x1xf32>
    %get3A_8 = arith.constant 0 : index
    %get3A_9 = arith.constant 0 : index
    %get3A_10 = vector.load %arg1[%get3A_8, %get3A_9] : memref<1000x128xf32, #tpu.memory_space<vmem>>, vector<1000x128xf32>
    %get3A_11 = arith.constant 0 : index
    %get3A_12 = arith.constant 0 : index
    %get3A_13 = vector.load %arg2[%get3A_11, %get3A_12] : memref<1000x128xf32, #tpu.memory_space<vmem>>, vector<1000x128xf32>
    %add3A_14 = arith.addf %get3A_10, %get3A_13 : vector<1000x128xf32>
    %get3A_15 = arith.constant 0 : index
    %get3A_16 = arith.constant 0 : index
    %get3A_17 = vector.load %arg3[%get3A_15, %get3A_16] : memref<1000x128xf32, #tpu.memory_space<vmem>>, vector<1000x128xf32>
    %add3A_18 = arith.addf %add3A_14, %get3A_17 : vector<1000x128xf32>
    %mul3A = vector.broadcast %rsqrt3A : vector<1000x1xf32> to vector<1000x128xf32>
    %mul3A_19 = arith.mulf %add3A_18, %mul3A : vector<1000x128xf32>
    %get3A_20 = arith.constant 0 : index
    %get3A_21 = arith.constant 0 : index
    %get3A_22 = vector.load %arg6[%get3A_20, %get3A_21] : memref<1x128xf32, #tpu.memory_space<vmem>>, vector<1x128xf32>
    %add3A_23 = vector.broadcast %get3A_22 : vector<1x128xf32> to vector<1000x128xf32>
    %add3A_24 = arith.addf %mul3A_19, %add3A_23 : vector<1000x128xf32>
    %swap3A = arith.constant 0 : index
    %swap3A_25 = arith.constant 0 : index
    %swap3A_26 = vector.load %arg8[%swap3A, %swap3A_25] : memref<1000x128xf32, #tpu.memory_space<vmem>>, vector<1000x128xf32>
    tpu.vector_store %arg8[%swap3A, %swap3A_25], %add3A_24 {strides = array<i32>} : memref<1000x128xf32, #tpu.memory_space<vmem>>, vector<1000x128xf32>,
    %max3A = arith.constant 0.000000e+00 : f32
    %max3A_27 = vector.broadcast %max3A : f32 to vector<1000x128xf32>
    %max3A_28 = arith.maximumf %add3A_24, %max3A_27 : vector<1000x128xf32>
    %get3A_29 = arith.constant 0 : index
    %get3A_30 = arith.constant 0 : index
    %get3A_31 = vector.load %arg7[%get3A_29, %get3A_30] : memref<128x48xf32, #tpu.memory_space<vmem>>, vector<128x48xf32>
    %dot_general3A = arith.constant dense<0.000000e+00> : vector<1000x48xf32>
    %dot_general3A_32 = tpu.matmul %max3A_28, %get3A_31, %dot_general3A {dimension_numbers = #tpu.dot_dimension_numbers<[1], [0], [0], [1], [0, 0, 1, 1], [], []>, transpose_lhs_hint = false} : vector<1000x128xf32>, vector<128x48xf32>, vector<1000x48xf32> -> vector<1000x48xf32>
    %mul3A_33 = vector.broadcast %rsqrt3A : vector<1000x1xf32> to vector<1000x48xf32>
    %mul3A_34 = arith.mulf %dot_general3A_32, %mul3A_33 : vector<1000x48xf32>
    %swap3A_35 = arith.constant 0 : index
    %swap3A_36 = arith.constant 0 : index
    %swap3A_37 = vector.load %arg9[%swap3A_35, %swap3A_36] : memref<1000x48xf32, #tpu.memory_space<vmem>>, vector<1000x48xf32>
    tpu.vector_store %arg9[%swap3A_35, %swap3A_36], %mul3A_34 {strides = array<i32>} : memref<1000x48xf32, #tpu.memory_space<vmem>>, vector<1000x48xf32>,
    return
  }
  func.func @transform_0(%arg0: i32) -> (i32, i32) {
    %add3A = arith.constant 0 : i32
    %add3A_0 = arith.addi %arg0, %add3A : i32
    %c0_i32 = arith.constant 0 : i32
    %c0_i32_1 = arith.constant 0 : i32
    return %add3A_0, %c0_i32 : i32, i32
  }
  func.func @transform_1(%arg0: i32) -> (i32, i32) {
    %add3A = arith.constant 10 : i32
    %add3A_0 = arith.addi %arg0, %add3A : i32
    %c0_i32 = arith.constant 0 : i32
    %c0_i32_1 = arith.constant 0 : i32
    return %add3A_0, %c0_i32 : i32, i32
  }
  func.func @transform_2(%arg0: i32) -> (i32, i32) {
    %c0_i32 = arith.constant 0 : i32
    %c0_i32_0 = arith.constant 0 : i32
    return %arg0, %c0_i32 : i32, i32
  }
  func.func @transform_3(%arg0: i32) -> (i32, i32) {
    %add3A = arith.constant 0 : i32
    %add3A_0 = arith.addi %arg0, %add3A : i32
    %c0_i32 = arith.constant 0 : i32
    %c0_i32_1 = arith.constant 0 : i32
    return %add3A_0, %c0_i32 : i32, i32
  }
  func.func @transform_4(%arg0: i32) -> (i32, i32) {
    %add3A = arith.constant 10 : i32
    %add3A_0 = arith.addi %arg0, %add3A : i32
    %c0_i32 = arith.constant 0 : i32
    %c0_i32_1 = arith.constant 0 : i32
    return %add3A_0, %c0_i32 : i32, i32
  }
  func.func @transform_5(%arg0: i32) -> (i32, i32) {
    %c0_i32 = arith.constant 0 : i32
    %c0_i32_0 = arith.constant 0 : i32
    %c0_i32_1 = arith.constant 0 : i32
    return %c0_i32, %c0_i32_0 : i32, i32
  }
  func.func @transform_6(%arg0: i32) -> (i32, i32) {
    %c0_i32 = arith.constant 0 : i32
    %c0_i32_0 = arith.constant 0 : i32
    %c0_i32_1 = arith.constant 0 : i32
    return %c0_i32, %c0_i32_0 : i32, i32
  }
  func.func @transform_7(%arg0: i32) -> (i32, i32) {
    %c0_i32 = arith.constant 0 : i32
    %c0_i32_0 = arith.constant 0 : i32
    return %arg0, %c0_i32 : i32, i32
  }
  func.func @transform_8(%arg0: i32) -> (i32, i32) {
    %c0_i32 = arith.constant 0 : i32
    %c0_i32_0 = arith.constant 0 : i32
    return %arg0, %c0_i32 : i32, i32
  }
}

module attributes {stable_mosaic.version = 14 : i64} {
  func.func @_tc3_body(%arg0: i32, %arg1: memref<1000x48xf32, #tpu.memory_space<vmem>>, %arg2: memref<1000x48xf32, #tpu.memory_space<vmem>>, %arg3: memref<1000x48xf32, #tpu.memory_space<vmem>>, %arg4: memref<1000x16xf32, #tpu.memory_space<vmem>>, %arg5: memref<1000x16xf32, #tpu.memory_space<vmem>>, %arg6: memref<1x40xf32, #tpu.memory_space<vmem>>, %arg7: memref<1000x40xf32, #tpu.memory_space<vmem>>) attributes {dimension_semantics = [#tpu.dimension_semantics<arbitrary>], iteration_bounds = array<i64: 10>, scalar_prefetch = 0 : i64, scratch_operands = 0 : i64, tpu.core_type = #tpu.core_type<tc>, window_params = [{transform_indices = @transform_0, window_bounds = array<i64: 1000, 48>}, {transform_indices = @transform_1, window_bounds = array<i64: 1000, 48>}, {transform_indices = @transform_2, window_bounds = array<i64: 1000, 48>}, {transform_indices = @transform_3, window_bounds = array<i64: 1000, 16>}, {transform_indices = @transform_4, window_bounds = array<i64: 1000, 16>}, {pipeline_mode = #tpu.pipeline_mode<synchronous>, transform_indices = @transform_5, window_bounds = array<i64: 1, 40>}, {transform_indices = @transform_6, window_bounds = array<i64: 1000, 40>}]} {
    %get3A = arith.constant 0 : index
    %get3A_0 = arith.constant 0 : index
    %get3A_1 = vector.load %arg4[%get3A, %get3A_0] : memref<1000x16xf32, #tpu.memory_space<vmem>>, vector<1000x1xf32>
    %get3A_2 = arith.constant 0 : index
    %get3A_3 = arith.constant 0 : index
    %get3A_4 = vector.load %arg5[%get3A_2, %get3A_3] : memref<1000x16xf32, #tpu.memory_space<vmem>>, vector<1000x1xf32>
    %add3A = arith.addf %get3A_1, %get3A_4 : vector<1000x1xf32>
    %add3A_5 = arith.constant 1.000000e+00 : f32
    %add3A_6 = vector.broadcast %add3A_5 : f32 to vector<1000x1xf32>
    %add3A_7 = arith.addf %add3A, %add3A_6 : vector<1000x1xf32>
    %rsqrt3A = math.rsqrt %add3A_7 : vector<1000x1xf32>
    %get3A_8 = arith.constant 0 : index
    %get3A_9 = arith.constant 0 : index
    %get3A_10 = vector.load %arg1[%get3A_8, %get3A_9] : memref<1000x48xf32, #tpu.memory_space<vmem>>, vector<1000x48xf32>
    %get3A_11 = arith.constant 0 : index
    %get3A_12 = arith.constant 0 : index
    %get3A_13 = vector.load %arg2[%get3A_11, %get3A_12] : memref<1000x48xf32, #tpu.memory_space<vmem>>, vector<1000x48xf32>
    %add3A_14 = arith.addf %get3A_10, %get3A_13 : vector<1000x48xf32>
    %get3A_15 = arith.constant 0 : index
    %get3A_16 = arith.constant 0 : index
    %get3A_17 = vector.load %arg3[%get3A_15, %get3A_16] : memref<1000x48xf32, #tpu.memory_space<vmem>>, vector<1000x48xf32>
    %add3A_18 = arith.addf %add3A_14, %get3A_17 : vector<1000x48xf32>
    %mul3A = vector.broadcast %rsqrt3A : vector<1000x1xf32> to vector<1000x48xf32>
    %mul3A_19 = arith.mulf %add3A_18, %mul3A : vector<1000x48xf32>
    %slice3A = vector.extract_strided_slice %mul3A_19 {offsets = [0, 0], sizes = [1000, 40], strides = [1, 1]} : vector<1000x48xf32> to vector<1000x40xf32>
    %get3A_20 = arith.constant 0 : index
    %get3A_21 = arith.constant 0 : index
    %get3A_22 = vector.load %arg6[%get3A_20, %get3A_21] : memref<1x40xf32, #tpu.memory_space<vmem>>, vector<1x40xf32>
    %add3A_23 = vector.broadcast %get3A_22 : vector<1x40xf32> to vector<1000x40xf32>
    %add3A_24 = arith.addf %slice3A, %add3A_23 : vector<1000x40xf32>
    %reduce_max3A = arith.constant dense<0xFF800000> : vector<1000xf32>
    %reduce_max3A_25 = vector.multi_reduction <maximumf>, %add3A_24, %reduce_max3A [1] : vector<1000x40xf32> to vector<1000xf32>
    %broadcast_in_dim3A = vector.shape_cast %reduce_max3A_25 : vector<1000xf32> to vector<1000x1xf32>
    %sub3A = vector.broadcast %broadcast_in_dim3A : vector<1000x1xf32> to vector<1000x40xf32>
    %sub3A_26 = arith.subf %add3A_24, %sub3A : vector<1000x40xf32>
    %exp3A = math.exp %sub3A_26 : vector<1000x40xf32>
    %reduce_sum3A = arith.constant dense<0.000000e+00> : vector<1000xf32>
    %reduce_sum3A_27 = vector.multi_reduction <add>, %exp3A, %reduce_sum3A [1] : vector<1000x40xf32> to vector<1000xf32>
    %broadcast_in_dim3A_28 = vector.shape_cast %reduce_sum3A_27 : vector<1000xf32> to vector<1000x1xf32>
    %log3A = math.log %broadcast_in_dim3A_28 : vector<1000x1xf32>
    %sub3A_29 = vector.broadcast %broadcast_in_dim3A : vector<1000x1xf32> to vector<1000x40xf32>
    %sub3A_30 = arith.subf %add3A_24, %sub3A_29 : vector<1000x40xf32>
    %sub3A_31 = vector.broadcast %log3A : vector<1000x1xf32> to vector<1000x40xf32>
    %sub3A_32 = arith.subf %sub3A_30, %sub3A_31 : vector<1000x40xf32>
    %swap3A = arith.constant 0 : index
    %swap3A_33 = arith.constant 0 : index
    %swap3A_34 = vector.load %arg7[%swap3A, %swap3A_33] : memref<1000x40xf32, #tpu.memory_space<vmem>>, vector<1000x40xf32>
    tpu.vector_store %arg7[%swap3A, %swap3A_33], %sub3A_32 {strides = array<i32>} : memref<1000x40xf32, #tpu.memory_space<vmem>>, vector<1000x40xf32>,
    return
  }
  func.func @transform_0(%arg0: i32) -> (i32, i32) {
    %add3A = arith.constant 0 : i32
    %add3A_0 = arith.addi %arg0, %add3A : i32
    %c0_i32 = arith.constant 0 : i32
    %c0_i32_1 = arith.constant 0 : i32
    return %add3A_0, %c0_i32 : i32, i32
  }
  func.func @transform_1(%arg0: i32) -> (i32, i32) {
    %add3A = arith.constant 10 : i32
    %add3A_0 = arith.addi %arg0, %add3A : i32
    %c0_i32 = arith.constant 0 : i32
    %c0_i32_1 = arith.constant 0 : i32
    return %add3A_0, %c0_i32 : i32, i32
  }
  func.func @transform_2(%arg0: i32) -> (i32, i32) {
    %c0_i32 = arith.constant 0 : i32
    %c0_i32_0 = arith.constant 0 : i32
    return %arg0, %c0_i32 : i32, i32
  }
  func.func @transform_3(%arg0: i32) -> (i32, i32) {
    %add3A = arith.constant 0 : i32
    %add3A_0 = arith.addi %arg0, %add3A : i32
    %c0_i32 = arith.constant 0 : i32
    %c0_i32_1 = arith.constant 0 : i32
    return %add3A_0, %c0_i32 : i32, i32
  }
  func.func @transform_4(%arg0: i32) -> (i32, i32) {
    %add3A = arith.constant 10 : i32
    %add3A_0 = arith.addi %arg0, %add3A : i32
    %c0_i32 = arith.constant 0 : i32
    %c0_i32_1 = arith.constant 0 : i32
    return %add3A_0, %c0_i32 : i32, i32
  }
  func.func @transform_5(%arg0: i32) -> (i32, i32) {
    %c0_i32 = arith.constant 0 : i32
    %c0_i32_0 = arith.constant 0 : i32
    %c0_i32_1 = arith.constant 0 : i32
    return %c0_i32, %c0_i32_0 : i32, i32
  }
  func.func @transform_6(%arg0: i32) -> (i32, i32) {
    %c0_i32 = arith.constant 0 : i32
    %c0_i32_0 = arith.constant 0 : i32
    return %arg0, %c0_i32 : i32, i32
  }
}

</mosaic_0001>

<sc_bundles>
// kernel: kernel.11.cloned.1.call-start
scs
__scs_entry_jumppad:
0x0: {  	(pc) =	sbr.rel $0x88, $3  }
0x1: {  	(tag) =	ssettag $0x0;
	lr =	simm.s32 $0x1  }
0x2: {  	[smem:$0x3F9B] =	sst lr;
	_ =	strace $0xD0000000  }
0x3: {  	_ = 	snop  }
0x4: {  	_ = 	snop  }
0x5: {  	_ = 	snop  }
0x6: {  	_ = 	snop  }
0x7: {  	_ = 	snop  }
__scs_overlays_trampoline_lowered:
0x8: {  	[smem:$0x3FAA] =	sst s0  }
0x9: {  	[smem:$0x3FAB] =	sst s1  }
0xa: {  	[smem:$0x3FAC] =	sst s2  }
0xb: {  	[smem:$0x3FAD] =	sst s3  }
0xc: {  	[smem:$0x3FAE] =	sst s4  }
0xd: {  	[smem:$0x3FAF] =	sst s5  }
0xe: {  	[smem:$0x3FB0] =	sst s6  }
0xf: {  	[smem:$0x3FB1] =	sst s7  }
0x10: {  	[smem:$0x3FB2] =	sst s8  }
0x11: {  	[smem:$0x3FB3] =	sst s9;
	s0 =	simm.s32 @!p0 $0x0  }
0x12: {  	s1 =	sld [smem:$0x3F99];
	s0 =	simm.s32 @p0 $0x1  }
0x13: {  	[smem:$0x3FB4] =	sst s0;
	s0 =	simm.s32 @!p1 $0x0  }
0x14: {  	s2 =	sld [smem:$0x3F98];
	s0 =	simm.s32 @p1 $0x1  }
0x15: {  	[smem:$0x3FB5] =	sst s0;
	s0 =	simm.s32 @!p2 $0x0  }
0x16: {  	s3 =	sld [smem:$0x3FDB];
	s0 =	simm.s32 @p2 $0x1  }
0x17: {  	s4 =	simm.s32 $0x1BF5;
	[smem:$0x3FB7] =	sst s0  }
0x18: {  	s0 =	sld [smem:$0x3F9A];
	_ =	swait.ge [sflag:s4], $0x0  }
0x19: {  	s7 =	sld [smem:$0x3F9B]  }
0x1a: {  	s8 =	sadd.s32 $0xFFFFE003, lr  }
0x1b: {  	s9 =	sadd.s32 $0xFFFFFEF7, lr;
	s5 =	simm.s32 $0xFFFFFFFF;
	p2 =	slt.u32 s8, $0xFFFFF086  }
0x1c: {  	p1 =	slt.u32 s9, $0xF7A;
	s5 =	simm.s32 @!p2 $0x0  }
0x1d: {  	s5 =	simm.s32 @p1 $0x1;
	p0 =	seq.s32 s7, s2  }
0x1e: {  	s7 =	smul.u32 @!p0 $0xF7A, s2;
	p2 =	seq.s32 @!p0 s5, $0x0  }
0x1f: {  	s9 =	smul.u32 $0xF7A, s1;
	s8 =	simm.s32 @!p0 $0x1BF5;
	p2 =	por !p2, p0  }
0x20: {  	[sflag:s8] =	ssyncset.s32 @!p0 $0xFFFFF086;
	s6 =	sadd.s32 @!p0 s3, s7;
	s7 =	simm.s32 @!p0 $0x108  }
0x21: {  	s3 =	sadd.s32 s3, s9;
	s6 =	sadd.s32 @!p0 $0x88, s6;
	s7 =	simm.s32 @p2 $0x1082  }
0x22: {  	[simem:s7], [sflag:s8] =	dma.local @!p0 [hbm:s6], $0xF7A  }
0x23: {  	s9 =	sor.u32 $0xD0000000, s2;
	s6 =	simm.s32 $0x108;
	_ =	swait.ge @!p0 [sflag:s8], $0x0  }
0x24: {  	s3 =	sadd.s32 $0x88, s3;
	s6 =	simm.s32 @!p1 $0x1082;
	[sflag:s4] =	ssyncset.s32 $0xFFFFF086  }
0x25: {  	[simem:s6], [sflag:s4] =	dma.local [hbm:s3], $0xF7A  }
0x26: {  	[smem:$0x3F9B] =	sst s1;
	(tag) =	ssettag s2;
	_ =	strace s9  }
0x27: {  	s1 =	sld [smem:$0x3FAB]  }
0x28: {  	s2 =	sld [smem:$0x3FAC]  }
0x29: {  	s4 =	sld [smem:$0x3FAE]  }
0x2a: {  	p0 =	seq.s32 s5, $0x0;
	s5 =	sld [smem:$0x3FAF]  }
0x2b: {  	s6 =	sld [smem:$0x3FB0]  }
0x2c: {  	s7 =	sld [smem:$0x3FB1]  }
0x2d: {  	s3 =	simm.s32 $0x108;
	s8 =	sld [smem:$0x3FB2]  }
0x2e: {  	s3 =	simm.s32 @!p0 $0x1082;
	s9 =	sld [smem:$0x3FB3]  }
0x2f: {  	lr =	sadd.s32 s0, s3;
	s0 =	sld [smem:$0x3FAA]  }
0x30: {  	s3 =	sld [smem:$0x3FAD]  }
0x31: {  	[smem:$0x3FB6] =	sst s10  }
0x32: {  	s10 =	sld [smem:$0x3FB4];
	_ =	sdelay $0x3  }
0x33: {  	p0 =	seq.s32 s10, $0x1;
	s10 =	sld [smem:$0x3FB6];
	_ =	sdelay $0x3  }
0x34: {  	[smem:$0x3FB6] =	sst s10  }
0x35: {  	s10 =	sld [smem:$0x3FB5];
	_ =	sdelay $0x3  }
0x36: {  	p1 =	seq.s32 s10, $0x1;
	s10 =	sld [smem:$0x3FB6];
	_ =	sdelay $0x3  }
0x37: {  	[smem:$0x3FB6] =	sst s10  }
0x38: {  	s10 =	sld [smem:$0x3FB7]  }
0x39: {  	_ = 	snop;
	(pc) =	sbr.ind lr, $3  }
0x3a: {  	_ = 	snop  }
0x3b: {  	_ = 	snop  }
0x3c: {  	p2 =	seq.s32 s10, $0x1;
	s10 =	sld [smem:$0x3FB6]  }
0x3d: {  	_ =	shalt  }
0x3e: {  	_ =	shalt  }
0x3f: {  	_ =	shalt  }
0x40: {  	_ =	shalt  }
0x41: {  	_ =	shalt  }
0x42: {  	_ =	shalt  }
0x43: {  	_ =	shalt  }
0x44: {  	_ =	shalt  }
0x45: {  	_ =	shalt  }
0x46: {  	_ =	shalt  }
0x47: {  	_ =	shalt  }
0x48: {  	_ =	shalt  }
0x49: {  	_ =	shalt  }
0x4a: {  	_ =	shalt  }
0x4b: {  	_ =	shalt  }
0x4c: {  	_ =	shalt  }
0x4d: {  	_ =	shalt  }
0x4e: {  	_ =	shalt  }
0x4f: {  	_ =	shalt  }
0x50: {  	_ =	shalt  }
0x51: {  	_ =	shalt  }
0x52: {  	_ =	shalt  }
0x53: {  	_ =	shalt  }
0x54: {  	_ =	shalt  }
0x55: {  	_ =	shalt  }
0x56: {  	_ =	shalt  }
0x57: {  	_ =	shalt  }
0x58: {  	_ =	shalt  }
0x59: {  	_ =	shalt  }
0x5a: {  	_ =	shalt  }
0x5b: {  	_ =	shalt  }
0x5c: {  	_ =	shalt  }
0x5d: {  	_ =	shalt  }
0x5e: {  	_ =	shalt  }
0x5f: {  	_ =	shalt  }
0x60: {  	_ =	shalt  }
0x61: {  	_ =	shalt  }
0x62: {  	_ =	shalt  }
0x63: {  	_ =	shalt  }
0x64: {  	_ =	shalt  }
0x65: {  	_ =	shalt  }
0x66: {  	_ =	shalt  }
0x67: {  	_ =	shalt  }
0x68: {  	_ =	shalt  }
0x69: {  	_ =	shalt  }
0x6a: {  	_ =	shalt  }
0x6b: {  	_ =	shalt  }
0x6c: {  	_ =	shalt  }
0x6d: {  	_ =	shalt  }
0x6e: {  	_ =	shalt  }
0x6f: {  	_ =	shalt  }
0x70: {  	_ =	shalt  }
0x71: {  	_ =	shalt  }
0x72: {  	_ =	shalt  }
0x73: {  	_ =	shalt  }
0x74: {  	_ =	shalt  }
0x75: {  	_ =	shalt  }
0x76: {  	_ =	shalt  }
0x77: {  	_ =	shalt  }
0x78: {  	_ =	shalt  }
0x79: {  	_ =	shalt  }
0x7a: {  	_ =	shalt  }
0x7b: {  	_ =	shalt  }
0x7c: {  	_ =	shalt  }
0x7d: {  	_ =	shalt  }
0x7e: {  	_ =	shalt  }
0x7f: {  	_ =	shalt  }
0x80: {  	_ =	shalt  }
0x81: {  	_ =	shalt  }
0x82: {  	_ =	shalt  }
0x83: {  	_ =	shalt  }
0x84: {  	_ =	shalt  }
0x85: {  	_ =	shalt  }
0x86: {  	_ =	shalt  }
0x87: {  	_ =	shalt  }
.Lfunc_end0:
.L_simem_size_0:
called_computation.1_lowered:
.L_overlay_start_0:
0x88: {  	s2 =	sld [smem:$0x3FD9]  }
0x89: {  	s3 =	sld [smem:$0x3FFE];
	_ =	sdelay $0x1  }
0x8a: {  	s1 =	srdreg.scid  }
0x8b: {  	s0 =	sand.u32 $0x1, s1  }
0x8c: {  	s14 =	sshll.u32 s0, $0xA;
	s2 =	sadd.s32 s3, s2  }
0x8d: {  	s2 =	sadd.s32 s2, s14  }
0x8e: {  	[smem:$0x3FC2] =	sst s2  }
0x8f: {  	_ = 	snop  }
0x90: {  	s2 =	sld [smem:$0x3FD0];
	_ =	sdelay $0x2  }
0x91: {  	s15 =	simm.s32 $0xA;
	s4 =	simm.s32 $0x10  }
0x92: {  	[smem:s4], [sflag:s15] =	dma.local [hbm:s2], $0x1  }
0x93: {  	_ =	swait.eq [sflag:s15], $0x1  }
0x94: {  	[sflag:s15] =	ssyncset.done $0x0  }
0x95: {  	s16 =	sld [smem:$0x10];
	[sflag:s15] =	ssyncadd.s32 $0xFFFFFFFF  }
0x96: {  	s17 =	sld [smem:$0x11];
	(tm) =	ssettm $0x1  }
0x97: {  	s18 =	sld [smem:$0x3FFB];
	_ =	sdelay $0x3  }
0x98: {  	_ =	strace s18  }
0x99: {  	s4 =	sld [smem:$0x3FFC];
	_ =	sdelay $0x3  }
0x9a: {  	_ =	strace s4  }
0x9b: {  	s4 =	sld [smem:$0x3FFD];
	_ =	sdelay $0x3  }
0x9c: {  	_ =	strace s4  }
0x9d: {  	_ =	strace $0x8FFFFFFF  }
0x9e: {  	s19 =	sld [smem:$0x3FDB];
	_ =	sdelay $0x1  }
0x9f: {  	s5 =	simm.s32 $_scs_section_size  }
0xa0: {  	s6 =	simm.s32 $_size__tile_overlayer_lowered;
	s7 =	simm.s32 $_tile_overlayer_lowered  }
0xa1: {  	s22 =	simm.s32 $0x1BFF;
	s21 =	sshll.u32 s7, $0x1;
	s4 =	sadd.s32 s5, s19  }
0xa2: {  	s8 =	simm.s32 $0x0;
	s20 =	sshll.u32 s6, $0x1;
	s6 =	sadd.s32 s21, s4  }
0xa3: {  	[timem:s8], [sflag:s22] =	dma.local [hbm:s6], s20  }
0xa4: {  	_ =	swait.ge [sflag:s22], s20  }
0xa5: {  	s5 =	ssub.s32 $0x0, s20;
	[sflag:s22] =	ssyncset.done $0x0  }
0xa6: {  	[sflag:s22] =	ssyncadd.s32 s5;
	_ =	sdelay $0x1  }
0xa7: {  	s23 =	simm.s32 $0x1B8B  }
0xa8: {  	_ =	swait.ge [sflag:s23], $0x1  }
0xa9: {  	[sflag:s23] =	ssyncset.done $0x0  }
0xaa: {  	s25 =	simm.s32 $0x1B8E;
	s24 =	sld [smem:$0x3FFE];
	[sflag:s23] =	ssyncadd.s32 $0xFFFFFFFF  }
0xab: {  	s26 =	simm.s32 $execute0_lowered;
	[smem:$0x3FD2] =	sst s25  }
0xac: {  	s6 =	sshll.u32 s26, $0x1;
	_ =	strace $0x80000049;
	[dreg:$0x1] =	wrdreg $0xFFFFFFFF  }
0xad: {  	s28 =	simm.s32 $_size_execute0_lowered;
	s4 =	sadd.s32 s4, s6;
	[dreg:$0x0] =	wrdreg $0x0  }
0xae: {  	s6 =	sshll.u32 s28, $0x1;
	[dreg:$0x2] =	wrdreg s4  }
0xaf: {  	[dreg:$0x3] =	wrdreg s6  }
0xb0: {  	[dreg:$0x4] =	wrdreg $0xC0  }
0xb1: {  	_ =	task [dreg:s8], $0x5FFFF  }
0xb2: {  	[dreg:$0x1] =	wrdreg $0xFFFFFFFF  }
0xb3: {  	[dreg:$0x0] =	wrdreg $0x60  }
0xb4: {  	[dreg:$0x2] =	wrdreg s17  }
0xb5: {  	[dreg:$0x3] =	wrdreg s24  }
0xb6: {  	[dreg:$0x4] =	wrdreg s16  }
0xb7: {  	[dreg:$0x5] =	wrdreg $0xA5000  }
0xb8: {  	[dreg:$0x6] =	wrdreg $0x9  }
0xb9: {  	_ =	task.clear_ibuf [dreg:s8], $0x7FFFF;
	_ =	strace $0x90000049  }
0xba: {  	s29 =	simm.s32 $0x9;
	_ =	strace $0x8000004B  }
0xbb: {  	_ =	swait.ge [sflag:s29], $0x1  }
0xbc: {  	[sflag:s29] =	ssyncadd.s32 $0xFFFFFFFF  }
0xbd: {  	_ =	strace $0x9000004B  }
0xbe: {  	_ =	sfence  }
0xbf: {  	s30 =	sld [smem:$0x0];
	_ =	sdelay $0x2  }
0xc0: {  	s31 =	sshll.u32 s1, $0xD;
	s1 =	sshrl.u32 s1, $0x2  }
0xc1: {  	s3 =	sand.u32 $0x4000, s31;
	s1 =	sadd.s32 s1, s30  }
0xc2: {  	s0 =	sor.u32 s3, s0;
	s1 =	sshll.u32 s1, $0x11  }
0xc3: {  	s0 =	sor.u32 s1, s0  }
0xc4: {  	s0 =	sadd.s32 $0x8F2B, s0  }
0xc5: {  	[sflag:s0] =	ssyncadd.remote.s32 $0x1  }
0xc6: {  	_ =	sfence.sel $0xFFFF  }
0xc7: {  	[dreg:$0x0] =	wrdreg $0xFFFFFFFF;
	(pc) =	sbr.abs _section_cstart, $3  }
0xc8: {  	[dreg:$0x1] =	wrdreg $0xFFFFFFFF  }
0xc9: {  	_ =	task.clear_ibuf [dreg:s8], $0x2FFFF;
	_ =	strace $0x9FFFFFFF  }
0xca: {  	(tm) =	ssettm $0x7FFFFFFF  }
0xcb: {  	_ =	shalt  }
tec
execute0_lowered:
.L_overlay_start_1:
0x0: {  	(tag) =	ssettag $0x1  }
0x1: {  	s11 =	rddreg [dreg:$0x0]  }
0x2: {  	s5 =	rddreg [dreg:$0x1]  }
0x3: {  	s2 =	rddreg [dreg:$0x2]  }
0x4: {  	s3 =	rddreg [dreg:$0x3]  }
0x5: {  	s0 =	rddreg [dreg:$0x4];
	s1 =	stileid.u32  }
0x6: {  	s4 =	simm.s32 $0x0;
	s7 =	srdreg.scid;
	s16 =	simm.s32 $0x7D  }
0x7: {  	s17 =	simm.s32 $0x2800;
	s18 =	simm.s32 $0x6680;
	s19 =	simm.s32 $0x1  }
0x8: {  	s20 =	simm.s32 $0x2;
	s21 =	simm.s32 $0x0;
	s6 =	smul.u32 $0x13880, s1  }
0x9: {  	[smem:$0x7FF] =	sst s4;
	s7 =	sand.u32 $0x1, s7;
	s8 =	smul.u32 $0x2710, s1  }
0xa: {  	s12 =	sadd.s32 $0x1E00, s5;
	s31 =	sshll.u32 s1, $0x6;
	_ =	strace $0x8000004A  }
0xb: {  	s10 =	smul.u32 $0x27100, s7;
	s13 =	ssub.s32 $0x2, s7;
	s7 =	sshll.u32 s7, $0x4  }
0xc: {  	s9 =	sshrl.u32 s6, $0x3;
	s28 =	sshrl.u32 s13, $0x1;
	s29 =	sor.u32 s1, s7  }
0xd: {  	s30 =	sadd.s32 s6, s3;
	s6 =	sor.u32 $0x1C03, s31;
	s9 =	sadd.s32 s9, s5  }
0xe: {  	s8 =	sadd.s32 s8, s10;
	s10 =	ssub.s32 s13, s28;
	s14 =	smul.u32 $0x500, s29  }
0xf: {  	s13 =	sshrl.u32 s30, $0x3;
	s8 =	sadd.s32 s8, s5;
	s5 =	sadd.s32 $0x5A000, s9  }
0x10: {  	s7 =	sadd.s32 $0x81200, s8;
	s8 =	smax.u32 s10, $0x1;
	s9 =	sadd.s32 s11, s14  }
0x11: {  	s15 =	sadd.s32 $0x280, s14;
	s10 =	sadd.s32 s12, s14;
	s14 =	simm.s32 $0x3  }
0x12: {  	s11 =	sadd.s32 s11, s15;
	s12 =	sadd.s32 s12, s15;
	s15 =	simm.s32 $0x1400  }
.LBB2_1:
0x13: {  	[spmem:s13], [sflag:s6] =	dma.local [hbm:s5], $0x2710  }
0x14: {  	_ =	swait.ge [sflag:s14], $0x2710  }
0x15: {  	[sflag:s14] =	ssyncset.done $0x0  }
0x16: {  	[sflag:s14] =	ssyncadd.s32 $0xFFFFD8F0  }
0x17: {  	[bflag:$0x0] =	sbarrier.arrive $0xFFFF  }
0x18: {  	[tilespmem:s4], [sflag:$0x3] =	stream.linear.gather [hbm4b:s9+s4], $0x1400, $0x38;
	[tilespmem:$0x1DD80] =	vst v63  }
0x19: {  	_ =	swait.ge [sflag:s14], $0x1400  }
0x1a: {  	[sflag:s14] =	ssyncset.done $0x0  }
0x1b: {  	[sflag:s14] =	ssyncadd.s32 $0xFFFFEC00  }
0x1c: {  	[tilespmem:s15], [sflag:$0x3] =	stream.linear.gather [hbm4b:s10+s4], $0x1400, $0x38;
	[tilespmem:$0x1DD80] =	vst v63  }
0x1d: {  	_ =	swait.ge [sflag:s14], $0x1400  }
0x1e: {  	[sflag:s14] =	ssyncset.done $0x0  }
0x1f: {  	s22 =	simm.s32 $0x0;
	[sflag:s14] =	ssyncadd.s32 $0xFFFFEC00  }
0x20: {  	[tilespmem:s17], [sflag:$0x1] =	stream.indirect.gather [hbm4b:s2+s16], $0x80, s22, s16, $0xb8;
	[tilespmem:$0x1DD80] =	vst v63  }
0x21: {  	s29 =	simm.s32 $0x80  }
0x22: {  	[tilespmem:s18], [sflag:$0x2] =	stream.indirect.gather [hbm4b:s2+s16], $0x80, s29, s16, $0xb8;
	[tilespmem:$0x1DD80] =	vst v63  }
0x23: {  	_ =	swait.ge [sflag:s19], $0x3E80  }
0x24: {  	[sflag:s19] =	ssyncset.done $0x0  }
0x25: {  	s30 =	simm.s32 $0x1400;
	[sflag:s19] =	ssyncadd.s32 $0xFFFFC180  }
0x26: {  	[spmem:s3] =	stream.indirect.scatter.add.f32 [tilespmem:s17], [sflag:$0x3], $0x80, s30, s16, $0xb8;
	[tilespmem:$0x1DD80] =	vst v63  }
0x27: {  	_ =	swait.ge [sflag:s14], $0x3E80  }
0x28: {  	[sflag:s14] =	ssyncset.done $0x0  }
0x29: {  	[sflag:s14] =	ssyncadd.s32 $0xFFFFC180  }
0x2a: {  	_ =	swait.ge [sflag:s20], $0x3E80  }
0x2b: {  	[sflag:s20] =	ssyncset.done $0x0  }
0x2c: {  	s31 =	simm.s32 $0x1480;
	[sflag:s20] =	ssyncadd.s32 $0xFFFFC180  }
0x2d: {  	[spmem:s3] =	stream.indirect.scatter.add.f32 [tilespmem:s18], [sflag:$0x3], $0x80, s31, s16, $0xb8;
	[tilespmem:$0x1DD80] =	vst v63  }
0x2e: {  	_ =	swait.ge [sflag:s14], $0x3E80  }
0x2f: {  	s23 =	simm.s32 $0x800;
	s22 =	simm.s32 $0x400;
	[sflag:s14] =	ssyncset.done $0x0  }
.LBB2_2:
0x30: {  	s24 =	sshra.s32 s22, $0x2  }
0x31: {  	[sflag:s14] =	ssyncadd.s32 $0xFFFFC180;
	s22 =	smov.u32 s23;
	s25 =	sadd.s32 $0x400, s23  }
0x32: {  	[tilespmem:s17], [sflag:$0x1] =	stream.indirect.gather [hbm4b:s2+s16], $0x80, s24, s16, $0xb8;
	[tilespmem:$0x1DD80] =	vst v63  }
0x33: {  	p0 =	sne.s32 s23, $0x4C00;
	s23 =	sadd.s32 $0x80, s24  }
0x34: {  	[tilespmem:s18], [sflag:$0x2] =	stream.indirect.gather [hbm4b:s2+s16], $0x80, s23, s16, $0xb8;
	[tilespmem:$0x1DD80] =	vst v63  }
0x35: {  	_ =	swait.ge [sflag:s19], $0x3E80  }
0x36: {  	[sflag:s19] =	ssyncset.done $0x0  }
0x37: {  	s23 =	sadd.s32 $0x1400, s24;
	[sflag:s19] =	ssyncadd.s32 $0xFFFFC180  }
0x38: {  	[spmem:s3] =	stream.indirect.scatter.add.f32 [tilespmem:s17], [sflag:$0x3], $0x80, s23, s16, $0xb8;
	[tilespmem:$0x1DD80] =	vst v63  }
0x39: {  	_ =	swait.ge [sflag:s14], $0x3E80  }
0x3a: {  	[sflag:s14] =	ssyncset.done $0x0  }
0x3b: {  	[sflag:s14] =	ssyncadd.s32 $0xFFFFC180  }
0x3c: {  	_ =	swait.ge [sflag:s20], $0x3E80  }
.Ltmp0:
0x3d: {  	[sflag:s20] =	ssyncset.done $0x0;
	(pc) =	sbr.rel @p0 .LBB2_2-.Ltmp0, $4  }
0x3e: {  	s23 =	sadd.s32 $0x1480, s24;
	[sflag:s20] =	ssyncadd.s32 $0xFFFFC180  }
0x3f: {  	[spmem:s3] =	stream.indirect.scatter.add.f32 [tilespmem:s18], [sflag:$0x3], $0x80, s23, s16, $0xb8;
	[tilespmem:$0x1DD80] =	vst v63  }
0x40: {  	_ =	swait.ge [sflag:s14], $0x3E80  }
0x41: {  	s23 =	smov.u32 s25;
	[sflag:s14] =	ssyncset.done $0x0  }
0x42: {  	s22 =	sshra.s32 s22, $0x2;
	[sflag:s14] =	ssyncadd.s32 $0xFFFFC180  }
0x43: {  	[tilespmem:s17], [sflag:$0x1] =	stream.indirect.gather [hbm4b:s2+s16], $0x80, s22, s16, $0xb8;
	[tilespmem:$0x1DD80] =	vst v63  }
0x44: {  	s23 =	sadd.s32 $0x80, s22  }
0x45: {  	[tilespmem:s18], [sflag:$0x2] =	stream.indirect.gather [hbm4b:s2+s16], $0x80, s23, s16, $0xb8;
	[tilespmem:$0x1DD80] =	vst v63  }
0x46: {  	_ =	swait.ge [sflag:s19], $0x3E80  }
0x47: {  	[sflag:s19] =	ssyncset.done $0x0  }
0x48: {  	s25 =	sadd.s32 $0x1400, s22;
	[sflag:s19] =	ssyncadd.s32 $0xFFFFC180  }
0x49: {  	[spmem:s3] =	stream.indirect.scatter.add.f32 [tilespmem:s17], [sflag:$0x3], $0x80, s25, s16, $0xb8;
	[tilespmem:$0x1DD80] =	vst v63  }
0x4a: {  	_ =	swait.ge [sflag:s14], $0x3E80  }
0x4b: {  	[sflag:s14] =	ssyncset.done $0x0  }
0x4c: {  	[sflag:s14] =	ssyncadd.s32 $0xFFFFC180  }
0x4d: {  	_ =	swait.ge [sflag:s20], $0x3E80  }
0x4e: {  	[sflag:s20] =	ssyncset.done $0x0  }
0x4f: {  	s22 =	sadd.s32 $0x1480, s22;
	[sflag:s20] =	ssyncadd.s32 $0xFFFFC180  }
0x50: {  	[spmem:s3] =	stream.indirect.scatter.add.f32 [tilespmem:s18], [sflag:$0x3], $0x80, s22, s16, $0xb8;
	[tilespmem:$0x1DD80] =	vst v63  }
0x51: {  	_ =	swait.ge [sflag:s14], $0x3E80  }
0x52: {  	[sflag:s14] =	ssyncset.done $0x0  }
0x53: {  	s26 =	simm.s32 $0x0;
	[sflag:s14] =	ssyncadd.s32 $0xFFFFC180  }
0x54: {  	[tilespmem:s26], [sflag:$0x3] =	stream.linear.gather [hbm4b:s11+s26], $0x1400, $0x38;
	[tilespmem:$0x1DD80] =	vst v63  }
0x55: {  	_ =	swait.ge [sflag:s14], $0x1400  }
0x56: {  	[sflag:s14] =	ssyncset.done $0x0  }
0x57: {  	[sflag:s14] =	ssyncadd.s32 $0xFFFFEC00  }
0x58: {  	[tilespmem:s15], [sflag:$0x3] =	stream.linear.gather [hbm4b:s12+s26], $0x1400, $0x38;
	[tilespmem:$0x1DD80] =	vst v63  }
0x59: {  	_ =	swait.ge [sflag:s14], $0x1400  }
0x5a: {  	[sflag:s14] =	ssyncset.done $0x0  }
0x5b: {  	s28 =	simm.s32 $0x0;
	[sflag:s14] =	ssyncadd.s32 $0xFFFFEC00  }
0x5c: {  	[tilespmem:s17], [sflag:$0x1] =	stream.indirect.gather [hbm4b:s2+s16], $0x80, s28, s16, $0xb8;
	[tilespmem:$0x1DD80] =	vst v63  }
0x5d: {  	s29 =	simm.s32 $0x80  }
0x5e: {  	[tilespmem:s18], [sflag:$0x2] =	stream.indirect.gather [hbm4b:s2+s16], $0x80, s29, s16, $0xb8;
	[tilespmem:$0x1DD80] =	vst v63  }
0x5f: {  	_ =	swait.ge [sflag:s19], $0x3E80  }
0x60: {  	[sflag:s19] =	ssyncset.done $0x0  }
0x61: {  	s30 =	simm.s32 $0x1400;
	[sflag:s19] =	ssyncadd.s32 $0xFFFFC180  }
0x62: {  	[spmem:s3] =	stream.indirect.scatter.add.f32 [tilespmem:s17], [sflag:$0x3], $0x80, s30, s16, $0xb8;
	[tilespmem:$0x1DD80] =	vst v63  }
0x63: {  	_ =	swait.ge [sflag:s14], $0x3E80  }
0x64: {  	[sflag:s14] =	ssyncset.done $0x0  }
0x65: {  	[sflag:s14] =	ssyncadd.s32 $0xFFFFC180  }
0x66: {  	_ =	swait.ge [sflag:s20], $0x3E80  }
0x67: {  	[sflag:s20] =	ssyncset.done $0x0  }
0x68: {  	s31 =	simm.s32 $0x1480;
	[sflag:s20] =	ssyncadd.s32 $0xFFFFC180  }
0x69: {  	[spmem:s3] =	stream.indirect.scatter.add.f32 [tilespmem:s18], [sflag:$0x3], $0x80, s31, s16, $0xb8;
	[tilespmem:$0x1DD80] =	vst v63  }
0x6a: {  	_ =	swait.ge [sflag:s14], $0x3E80  }
0x6b: {  	s23 =	simm.s32 $0x800;
	s22 =	simm.s32 $0x400;
	[sflag:s14] =	ssyncset.done $0x0  }
.LBB2_4:
0x6c: {  	s24 =	sshra.s32 s22, $0x2  }
0x6d: {  	[sflag:s14] =	ssyncadd.s32 $0xFFFFC180;
	s22 =	smov.u32 s23;
	s25 =	sadd.s32 $0x400, s23  }
0x6e: {  	[tilespmem:s17], [sflag:$0x1] =	stream.indirect.gather [hbm4b:s2+s16], $0x80, s24, s16, $0xb8;
	[tilespmem:$0x1DD80] =	vst v63  }
0x6f: {  	p0 =	sne.s32 s23, $0x4C00;
	s23 =	sadd.s32 $0x80, s24  }
0x70: {  	[tilespmem:s18], [sflag:$0x2] =	stream.indirect.gather [hbm4b:s2+s16], $0x80, s23, s16, $0xb8;
	[tilespmem:$0x1DD80] =	vst v63  }
0x71: {  	_ =	swait.ge [sflag:s19], $0x3E80  }
0x72: {  	[sflag:s19] =	ssyncset.done $0x0  }
0x73: {  	s23 =	sadd.s32 $0x1400, s24;
	[sflag:s19] =	ssyncadd.s32 $0xFFFFC180  }
0x74: {  	[spmem:s3] =	stream.indirect.scatter.add.f32 [tilespmem:s17], [sflag:$0x3], $0x80, s23, s16, $0xb8;
	[tilespmem:$0x1DD80] =	vst v63  }
0x75: {  	_ =	swait.ge [sflag:s14], $0x3E80  }
0x76: {  	[sflag:s14] =	ssyncset.done $0x0  }
0x77: {  	[sflag:s14] =	ssyncadd.s32 $0xFFFFC180  }
0x78: {  	_ =	swait.ge [sflag:s20], $0x3E80  }
.Ltmp1:
0x79: {  	[sflag:s20] =	ssyncset.done $0x0;
	(pc) =	sbr.rel @p0 .LBB2_4-.Ltmp1, $4  }
0x7a: {  	s23 =	sadd.s32 $0x1480, s24;
	[sflag:s20] =	ssyncadd.s32 $0xFFFFC180  }
0x7b: {  	[spmem:s3] =	stream.indirect.scatter.add.f32 [tilespmem:s18], [sflag:$0x3], $0x80, s23, s16, $0xb8;
	[tilespmem:$0x1DD80] =	vst v63  }
0x7c: {  	_ =	swait.ge [sflag:s14], $0x3E80  }
0x7d: {  	s23 =	smov.u32 s25;
	[sflag:s14] =	ssyncset.done $0x0  }
0x7e: {  	s22 =	sshra.s32 s22, $0x2;
	[sflag:s14] =	ssyncadd.s32 $0xFFFFC180  }
0x7f: {  	[tilespmem:s17], [sflag:$0x1] =	stream.indirect.gather [hbm4b:s2+s16], $0x80, s22, s16, $0xb8;
	[tilespmem:$0x1DD80] =	vst v63  }
0x80: {  	s23 =	sadd.s32 $0x80, s22  }
0x81: {  	[tilespmem:s18], [sflag:$0x2] =	stream.indirect.gather [hbm4b:s2+s16], $0x80, s23, s16, $0xb8;
	[tilespmem:$0x1DD80] =	vst v63  }
0x82: {  	_ =	swait.ge [sflag:s19], $0x3E80  }
0x83: {  	[sflag:s19] =	ssyncset.done $0x0  }
0x84: {  	s31 =	sadd.s32 $0x1400, s22;
	[sflag:s19] =	ssyncadd.s32 $0xFFFFC180  }
0x85: {  	[spmem:s3] =	stream.indirect.scatter.add.f32 [tilespmem:s17], [sflag:$0x3], $0x80, s31, s16, $0xb8;
	[tilespmem:$0x1DD80] =	vst v63  }
0x86: {  	_ =	swait.ge [sflag:s14], $0x3E80  }
0x87: {  	[sflag:s14] =	ssyncset.done $0x0  }
0x88: {  	[sflag:s14] =	ssyncadd.s32 $0xFFFFC180  }
0x89: {  	_ =	swait.ge [sflag:s20], $0x3E80  }
0x8a: {  	[sflag:s20] =	ssyncset.done $0x0  }
0x8b: {  	s22 =	sadd.s32 $0x1480, s22;
	[sflag:s20] =	ssyncadd.s32 $0xFFFFC180  }
0x8c: {  	[spmem:s3] =	stream.indirect.scatter.add.f32 [tilespmem:s18], [sflag:$0x3], $0x80, s22, s16, $0xb8;
	[tilespmem:$0x1DD80] =	vst v63  }
0x8d: {  	_ =	swait.ge [sflag:s14], $0x3E80  }
0x8e: {  	s21 =	sadd.s32 $0x1, s21;
	[sflag:s14] =	ssyncset.done $0x0  }
0x8f: {  	p0 =	sne.s32 s21, s8;
	[sflag:s14] =	ssyncadd.s32 $0xFFFFC180  }
.Ltmp2:
0x90: {  	[bflag:$0x0] =	sbarrier.arrive $0xFFFF;
	(pc) =	sbr.rel @p0 .LBB2_1-.Ltmp2, $4  }
0x91: {  	[hbm:s7], [sflag:s6] =	dma.local [spmem:s13], $0x2710  }
0x92: {  	_ =	swait.ge [sflag:s14], $0x2710  }
0x93: {  	[sflag:s14] =	ssyncset.done $0x0  }
0x94: {  	[sflag:s14] =	ssyncadd.s32 $0xFFFFD8F0  }
0x95: {  	_ =	sfence.sel $0x180000  }
0x96: {  	[bflag:$0x0] =	sbarrier.arrive $0xFFFF  }
0x97: {  	p0 =	sne.s32 s1, $0x0;
	_ =	strace $0x9000004A  }
0x98: {  	s0 =	sadd.s32 @!p0 $0x100000, s0;
	[bflag:$0x2] =	sbarrier.arrive $0xFFFF  }
0x99: {  	[sflag:s0] =	ssyncadd.tile.s32 @!p0 $0x1;
	_ =	shalt  }
.Lfunc_end2:
_tile_overlayer_lowered:
.L_overlay_start_2:
0x9a: {  	(tag) =	ssettag $0x2  }
0x9b: {  	s0 =	rddreg [dreg:$0x0];
	s2 =	stileid.u32  }
0x9c: {  	s1 =	rddreg [dreg:$0x1];
	p0 =	sne.s32 s2, $0x0  }
0x9d: {  	s3 =	rddreg [dreg:$0x2];
	[bflag:$0x3] =	sbarrier.arrive $0xFFFF;
	s2 =	simm.s32 @!p0 $0x1C03  }
0x9e: {  	[timem:s3], [sflag:s2] =	dma.local @!p0 [hbm:s0], s1  }
0x9f: {  	s0 =	simm.s32 @!p0 $0x3  }
0xa0: {  	_ =	swait.ge @!p0 [sflag:s0], s1  }
0xa1: {  	s1 =	ssub.s32 @!p0 $0x0, s1;
	[sflag:s0] =	ssyncset.done @!p0 $0x0  }
0xa2: {  	[sflag:s0] =	ssyncadd.s32 @!p0 s1  }
0xa3: {  	[bflag:$0x3] =	sbarrier.arrive $0xFFFF  }
0xa4: {  	_ =	shalt  }

// kernel: kernel.14.cloned.1.call-start
scs
__scs_entry_jumppad:
0x0: {  	(pc) =	sbr.rel $0x88, $3  }
0x1: {  	(tag) =	ssettag $0x0;
	lr =	simm.s32 $0x1  }
0x2: {  	[smem:$0x3F9B] =	sst lr;
	_ =	strace $0xD0000000  }
0x3: {  	_ = 	snop  }
0x4: {  	_ = 	snop  }
0x5: {  	_ = 	snop  }
0x6: {  	_ = 	snop  }
0x7: {  	_ = 	snop  }
__scs_overlays_trampoline_lowered:
0x8: {  	[smem:$0x3FAA] =	sst s0  }
0x9: {  	[smem:$0x3FAB] =	sst s1  }
0xa: {  	[smem:$0x3FAC] =	sst s2  }
0xb: {  	[smem:$0x3FAD] =	sst s3  }
0xc: {  	[smem:$0x3FAE] =	sst s4  }
0xd: {  	[smem:$0x3FAF] =	sst s5  }
0xe: {  	[smem:$0x3FB0] =	sst s6  }
0xf: {  	[smem:$0x3FB1] =	sst s7  }
0x10: {  	[smem:$0x3FB2] =	sst s8  }
0x11: {  	[smem:$0x3FB3] =	sst s9;
	s0 =	simm.s32 @!p0 $0x0  }
0x12: {  	s1 =	sld [smem:$0x3F99];
	s0 =	simm.s32 @p0 $0x1  }
0x13: {  	[smem:$0x3FB4] =	sst s0;
	s0 =	simm.s32 @!p1 $0x0  }
0x14: {  	s2 =	sld [smem:$0x3F98];
	s0 =	simm.s32 @p1 $0x1  }
0x15: {  	[smem:$0x3FB5] =	sst s0;
	s0 =	simm.s32 @!p2 $0x0  }
0x16: {  	s3 =	sld [smem:$0x3FDB];
	s0 =	simm.s32 @p2 $0x1  }
0x17: {  	s4 =	simm.s32 $0x1BF5;
	[smem:$0x3FB7] =	sst s0  }
0x18: {  	s0 =	sld [smem:$0x3F9A];
	_ =	swait.ge [sflag:s4], $0x0  }
0x19: {  	s7 =	sld [smem:$0x3F9B]  }
0x1a: {  	s8 =	sadd.s32 $0xFFFFE003, lr  }
0x1b: {  	s9 =	sadd.s32 $0xFFFFFEF7, lr;
	s5 =	simm.s32 $0xFFFFFFFF;
	p2 =	slt.u32 s8, $0xFFFFF086  }
0x1c: {  	p1 =	slt.u32 s9, $0xF7A;
	s5 =	simm.s32 @!p2 $0x0  }
0x1d: {  	s5 =	simm.s32 @p1 $0x1;
	p0 =	seq.s32 s7, s2  }
0x1e: {  	s7 =	smul.u32 @!p0 $0xF7A, s2;
	p2 =	seq.s32 @!p0 s5, $0x0  }
0x1f: {  	s9 =	smul.u32 $0xF7A, s1;
	s8 =	simm.s32 @!p0 $0x1BF5;
	p2 =	por !p2, p0  }
0x20: {  	[sflag:s8] =	ssyncset.s32 @!p0 $0xFFFFF086;
	s6 =	sadd.s32 @!p0 s3, s7;
	s7 =	simm.s32 @!p0 $0x108  }
0x21: {  	s3 =	sadd.s32 s3, s9;
	s6 =	sadd.s32 @!p0 $0x88, s6;
	s7 =	simm.s32 @p2 $0x1082  }
0x22: {  	[simem:s7], [sflag:s8] =	dma.local @!p0 [hbm:s6], $0xF7A  }
0x23: {  	s9 =	sor.u32 $0xD0000000, s2;
	s6 =	simm.s32 $0x108;
	_ =	swait.ge @!p0 [sflag:s8], $0x0  }
0x24: {  	s3 =	sadd.s32 $0x88, s3;
	s6 =	simm.s32 @!p1 $0x1082;
	[sflag:s4] =	ssyncset.s32 $0xFFFFF086  }
0x25: {  	[simem:s6], [sflag:s4] =	dma.local [hbm:s3], $0xF7A  }
0x26: {  	[smem:$0x3F9B] =	sst s1;
	(tag) =	ssettag s2;
	_ =	strace s9  }
0x27: {  	s1 =	sld [smem:$0x3FAB]  }
0x28: {  	s2 =	sld [smem:$0x3FAC]  }
0x29: {  	s4 =	sld [smem:$0x3FAE]  }
0x2a: {  	p0 =	seq.s32 s5, $0x0;
	s5 =	sld [smem:$0x3FAF]  }
0x2b: {  	s6 =	sld [smem:$0x3FB0]  }
0x2c: {  	s7 =	sld [smem:$0x3FB1]  }
0x2d: {  	s3 =	simm.s32 $0x108;
	s8 =	sld [smem:$0x3FB2]  }
0x2e: {  	s3 =	simm.s32 @!p0 $0x1082;
	s9 =	sld [smem:$0x3FB3]  }
0x2f: {  	lr =	sadd.s32 s0, s3;
	s0 =	sld [smem:$0x3FAA]  }
0x30: {  	s3 =	sld [smem:$0x3FAD]  }
0x31: {  	[smem:$0x3FB6] =	sst s10  }
0x32: {  	s10 =	sld [smem:$0x3FB4];
	_ =	sdelay $0x3  }
0x33: {  	p0 =	seq.s32 s10, $0x1;
	s10 =	sld [smem:$0x3FB6];
	_ =	sdelay $0x3  }
0x34: {  	[smem:$0x3FB6] =	sst s10  }
0x35: {  	s10 =	sld [smem:$0x3FB5];
	_ =	sdelay $0x3  }
0x36: {  	p1 =	seq.s32 s10, $0x1;
	s10 =	sld [smem:$0x3FB6];
	_ =	sdelay $0x3  }
0x37: {  	[smem:$0x3FB6] =	sst s10  }
0x38: {  	s10 =	sld [smem:$0x3FB7]  }
0x39: {  	_ = 	snop;
	(pc) =	sbr.ind lr, $3  }
0x3a: {  	_ = 	snop  }
0x3b: {  	_ = 	snop  }
0x3c: {  	p2 =	seq.s32 s10, $0x1;
	s10 =	sld [smem:$0x3FB6]  }
0x3d: {  	_ =	shalt  }
0x3e: {  	_ =	shalt  }
0x3f: {  	_ =	shalt  }
0x40: {  	_ =	shalt  }
0x41: {  	_ =	shalt  }
0x42: {  	_ =	shalt  }
0x43: {  	_ =	shalt  }
0x44: {  	_ =	shalt  }
0x45: {  	_ =	shalt  }
0x46: {  	_ =	shalt  }
0x47: {  	_ =	shalt  }
0x48: {  	_ =	shalt  }
0x49: {  	_ =	shalt  }
0x4a: {  	_ =	shalt  }
0x4b: {  	_ =	shalt  }
0x4c: {  	_ =	shalt  }
0x4d: {  	_ =	shalt  }
0x4e: {  	_ =	shalt  }
0x4f: {  	_ =	shalt  }
0x50: {  	_ =	shalt  }
0x51: {  	_ =	shalt  }
0x52: {  	_ =	shalt  }
0x53: {  	_ =	shalt  }
0x54: {  	_ =	shalt  }
0x55: {  	_ =	shalt  }
0x56: {  	_ =	shalt  }
0x57: {  	_ =	shalt  }
0x58: {  	_ =	shalt  }
0x59: {  	_ =	shalt  }
0x5a: {  	_ =	shalt  }
0x5b: {  	_ =	shalt  }
0x5c: {  	_ =	shalt  }
0x5d: {  	_ =	shalt  }
0x5e: {  	_ =	shalt  }
0x5f: {  	_ =	shalt  }
0x60: {  	_ =	shalt  }
0x61: {  	_ =	shalt  }
0x62: {  	_ =	shalt  }
0x63: {  	_ =	shalt  }
0x64: {  	_ =	shalt  }
0x65: {  	_ =	shalt  }
0x66: {  	_ =	shalt  }
0x67: {  	_ =	shalt  }
0x68: {  	_ =	shalt  }
0x69: {  	_ =	shalt  }
0x6a: {  	_ =	shalt  }
0x6b: {  	_ =	shalt  }
0x6c: {  	_ =	shalt  }
0x6d: {  	_ =	shalt  }
0x6e: {  	_ =	shalt  }
0x6f: {  	_ =	shalt  }
0x70: {  	_ =	shalt  }
0x71: {  	_ =	shalt  }
0x72: {  	_ =	shalt  }
0x73: {  	_ =	shalt  }
0x74: {  	_ =	shalt  }
0x75: {  	_ =	shalt  }
0x76: {  	_ =	shalt  }
0x77: {  	_ =	shalt  }
0x78: {  	_ =	shalt  }
0x79: {  	_ =	shalt  }
0x7a: {  	_ =	shalt  }
0x7b: {  	_ =	shalt  }
0x7c: {  	_ =	shalt  }
0x7d: {  	_ =	shalt  }
0x7e: {  	_ =	shalt  }
0x7f: {  	_ =	shalt  }
0x80: {  	_ =	shalt  }
0x81: {  	_ =	shalt  }
0x82: {  	_ =	shalt  }
0x83: {  	_ =	shalt  }
0x84: {  	_ =	shalt  }
0x85: {  	_ =	shalt  }
0x86: {  	_ =	shalt  }
0x87: {  	_ =	shalt  }
.Lfunc_end0:
.L_simem_size_0:
called_computation.2_lowered:
.L_overlay_start_0:
0x88: {  	s2 =	sld [smem:$0x3FD9]  }
0x89: {  	s3 =	sld [smem:$0x3FFE];
	_ =	sdelay $0x1  }
0x8a: {  	s1 =	srdreg.scid  }
0x8b: {  	s0 =	sand.u32 $0x1, s1  }
0x8c: {  	s14 =	sshll.u32 s0, $0xA;
	s2 =	sadd.s32 s3, s2  }
0x8d: {  	s2 =	sadd.s32 s2, s14  }
0x8e: {  	[smem:$0x3FC2] =	sst s2  }
0x8f: {  	_ = 	snop  }
0x90: {  	s2 =	sld [smem:$0x3FD0];
	_ =	sdelay $0x2  }
0x91: {  	s15 =	simm.s32 $0xA;
	s4 =	simm.s32 $0x10  }
0x92: {  	[smem:s4], [sflag:s15] =	dma.local [hbm:s2], $0x1  }
0x93: {  	_ =	swait.eq [sflag:s15], $0x1  }
0x94: {  	[sflag:s15] =	ssyncset.done $0x0  }
0x95: {  	[sflag:s15] =	ssyncadd.s32 $0xFFFFFFFF  }
0x96: {  	s16 =	sld [smem:$0x11];
	(tm) =	ssettm $0x1  }
0x97: {  	s17 =	sld [smem:$0x3FFB];
	_ =	sdelay $0x3  }
0x98: {  	_ =	strace s17  }
0x99: {  	s3 =	sld [smem:$0x3FFC];
	_ =	sdelay $0x3  }
0x9a: {  	_ =	strace s3  }
0x9b: {  	s3 =	sld [smem:$0x3FFD];
	_ =	sdelay $0x3  }
0x9c: {  	_ =	strace s3  }
0x9d: {  	_ =	strace $0x8FFFFFFF  }
0x9e: {  	s18 =	sld [smem:$0x3FDB];
	_ =	sdelay $0x1  }
0x9f: {  	s19 =	simm.s32 $_scs_section_size  }
0xa0: {  	s5 =	simm.s32 $_size__tile_overlayer_lowered;
	s6 =	simm.s32 $_tile_overlayer_lowered  }
0xa1: {  	s22 =	simm.s32 $0x1BFF;
	s21 =	sshll.u32 s6, $0x1;
	s3 =	sadd.s32 s19, s18  }
0xa2: {  	s7 =	simm.s32 $0x0;
	s20 =	sshll.u32 s5, $0x1;
	s5 =	sadd.s32 s21, s3  }
0xa3: {  	[timem:s7], [sflag:s22] =	dma.local [hbm:s5], s20  }
0xa4: {  	_ =	swait.ge [sflag:s22], s20  }
0xa5: {  	s4 =	ssub.s32 $0x0, s20;
	[sflag:s22] =	ssyncset.done $0x0  }
0xa6: {  	[sflag:s22] =	ssyncadd.s32 s4;
	_ =	sdelay $0x1  }
0xa7: {  	s23 =	simm.s32 $0x1B8B  }
0xa8: {  	_ =	swait.ge [sflag:s23], $0x1  }
0xa9: {  	[sflag:s23] =	ssyncset.done $0x0  }
0xaa: {  	s25 =	simm.s32 $0x1B8E;
	s24 =	sld [smem:$0x3FFE];
	[sflag:s23] =	ssyncadd.s32 $0xFFFFFFFF  }
0xab: {  	s26 =	simm.s32 $execute0_lowered;
	[smem:$0x3FD2] =	sst s25  }
0xac: {  	s5 =	sshll.u32 s26, $0x1;
	_ =	strace $0x8000004C;
	[dreg:$0x1] =	wrdreg $0xFFFFFFFF  }
0xad: {  	s28 =	simm.s32 $_size_execute0_lowered;
	s3 =	sadd.s32 s3, s5;
	[dreg:$0x0] =	wrdreg $0x0  }
0xae: {  	s5 =	sshll.u32 s28, $0x1;
	[dreg:$0x2] =	wrdreg s3  }
0xaf: {  	[dreg:$0x3] =	wrdreg s5  }
0xb0: {  	[dreg:$0x4] =	wrdreg $0xC0  }
0xb1: {  	_ =	task [dreg:s7], $0x5FFFF  }
0xb2: {  	[dreg:$0x1] =	wrdreg $0xFFFFFFFF  }
0xb3: {  	[dreg:$0x0] =	wrdreg $0x60  }
0xb4: {  	[dreg:$0x2] =	wrdreg s16  }
0xb5: {  	[dreg:$0x3] =	wrdreg s24  }
0xb6: {  	[dreg:$0x4] =	wrdreg $0xADC00  }
0xb7: {  	[dreg:$0x5] =	wrdreg $0x9  }
0xb8: {  	_ =	task.clear_ibuf [dreg:s7], $0x6FFFF;
	_ =	strace $0x9000004C  }
0xb9: {  	s29 =	simm.s32 $0x9;
	_ =	strace $0x8000004E  }
0xba: {  	_ =	swait.ge [sflag:s29], $0x1  }
0xbb: {  	[sflag:s29] =	ssyncadd.s32 $0xFFFFFFFF  }
0xbc: {  	_ =	strace $0x9000004E  }
0xbd: {  	_ =	sfence  }
0xbe: {  	s30 =	sld [smem:$0x0];
	_ =	sdelay $0x2  }
0xbf: {  	s31 =	sshll.u32 s1, $0xD;
	s1 =	sshrl.u32 s1, $0x2  }
0xc0: {  	s3 =	sand.u32 $0x4000, s31;
	s1 =	sadd.s32 s1, s30  }
0xc1: {  	s0 =	sor.u32 s3, s0;
	s1 =	sshll.u32 s1, $0x11  }
0xc2: {  	s0 =	sor.u32 s1, s0  }
0xc3: {  	s0 =	sadd.s32 $0x8F2B, s0  }
0xc4: {  	[sflag:s0] =	ssyncadd.remote.s32 $0x1  }
0xc5: {  	_ =	sfence.sel $0xFFFF  }
0xc6: {  	[dreg:$0x0] =	wrdreg $0xFFFFFFFF;
	(pc) =	sbr.abs _section_cstart, $3  }
0xc7: {  	[dreg:$0x1] =	wrdreg $0xFFFFFFFF  }
0xc8: {  	_ =	task.clear_ibuf [dreg:s7], $0x2FFFF;
	_ =	strace $0x9FFFFFFF  }
0xc9: {  	(tm) =	ssettm $0x7FFFFFFF  }
tec
execute0_lowered:
.L_overlay_start_1:
0x0: {  	(tag) =	ssettag $0x1  }
0x1: {  	s7 =	rddreg [dreg:$0x0]  }
0x2: {  	s6 =	rddreg [dreg:$0x1]  }
0x3: {  	s0 =	srdreg.scid;
	s2 =	rddreg [dreg:$0x2]  }
0x4: {  	s3 =	simm.s32 $0x0;
	s15 =	simm.s32 $0x5000;
	s16 =	simm.s32 $0x6770  }
0x5: {  	s17 =	simm.s32 $0x7EE0;
	s18 =	simm.s32 $0x9650;
	s19 =	simm.s32 $0x1  }
0x6: {  	s20 =	simm.s32 $0x2;
	s5 =	sand.u32 $0x1, s0;
	s0 =	stileid.u32  }
0x7: {  	s21 =	simm.s32 $0x3;
	s22 =	simm.s32 $0x4;
	s9 =	smul.u32 $0x7530, s0  }
0x8: {  	s23 =	simm.s32 $0x0;
	[smem:$0x7FF] =	sst s3;
	s10 =	smul.u32 $0xEA6, s0  }
0x9: {  	s4 =	sadd.s32 $0x5A000, s6;
	s1 =	sshll.u32 s5, $0x4;
	s11 =	smul.u32 $0xEA60, s5  }
0xa: {  	s5 =	ssub.s32 $0x2, s5;
	s31 =	sshll.u32 s0, $0x6;
	s1 =	sor.u32 s0, s1  }
0xb: {  	s30 =	sshrl.u32 s5, $0x1;
	s8 =	smul.u32 $0x500, s1;
	s1 =	rddreg [dreg:$0x3]  }
0xc: {  	_ =	strace $0x8000004D;
	s13 =	sshrl.u32 s9, $0x3;
	s10 =	sadd.s32 s10, s11  }
0xd: {  	s11 =	ssub.s32 s5, s30;
	s14 =	sadd.s32 s9, s2;
	s13 =	sadd.s32 s13, s6  }
0xe: {  	s10 =	sadd.s32 s10, s6;
	s12 =	sadd.s32 s8, s6;
	s5 =	sadd.s32 $0x68C00, s13  }
0xf: {  	s6 =	sor.u32 $0x1C05, s31;
	s7 =	sadd.s32 s7, s8;
	s9 =	sadd.s32 $0x77800, s10  }
0x10: {  	s10 =	smax.u32 s11, $0x1;
	s11 =	sshrl.u32 s14, $0x3;
	s13 =	simm.s32 $0x2800  }
0x11: {  	s14 =	simm.s32 $0x7D;
	s8 =	sadd.s32 $0x1E00, s12;
	s12 =	simm.s32 $0x5  }
.LBB2_1:
0x12: {  	[spmem:s11], [sflag:s6] =	dma.local [hbm:s5], $0xEA6  }
0x13: {  	_ =	swait.ge [sflag:s12], $0xEA6  }
0x14: {  	[sflag:s12] =	ssyncset.done $0x0  }
0x15: {  	[sflag:s12] =	ssyncadd.s32 $0xFFFFF15A  }
0x16: {  	[bflag:$0x0] =	sbarrier.arrive $0xFFFF  }
0x17: {  	[tilespmem:s3], [sflag:$0x5] =	stream.linear.gather [hbm4b:s7+s3], $0x2800, $0x38;
	[tilespmem:$0x122F0] =	vst v63  }
0x18: {  	_ =	swait.ge [sflag:s12], $0x2800  }
0x19: {  	[sflag:s12] =	ssyncset.done $0x0  }
0x1a: {  	[sflag:s12] =	ssyncadd.s32 $0xFFFFD800  }
0x1b: {  	[tilespmem:s13], [sflag:$0x5] =	stream.linear.gather [hbm4b:s8+s3], $0x2800, $0x38;
	[tilespmem:$0x122F0] =	vst v63  }
0x1c: {  	_ =	swait.ge [sflag:s12], $0x2800  }
0x1d: {  	[sflag:s12] =	ssyncset.done $0x0  }
0x1e: {  	s24 =	simm.s32 $0x0;
	[sflag:s12] =	ssyncadd.s32 $0xFFFFD800  }
0x1f: {  	[tilespmem:s15], [sflag:$0x1] =	stream.indirect.gather [hbm4b:s4+s14], $0x30, s24, s14, $0xb8;
	[tilespmem:$0x122F0] =	vst v63  }
0x20: {  	s30 =	simm.s32 $0x80  }
0x21: {  	[tilespmem:s16], [sflag:$0x2] =	stream.indirect.gather [hbm4b:s4+s14], $0x30, s30, s14, $0xb8;
	[tilespmem:$0x122F0] =	vst v63  }
0x22: {  	s31 =	simm.s32 $0x100  }
0x23: {  	[tilespmem:s17], [sflag:$0x3] =	stream.indirect.gather [hbm4b:s4+s14], $0x30, s31, s14, $0xb8;
	[tilespmem:$0x122F0] =	vst v63  }
0x24: {  	s25 =	simm.s32 $0x180  }
0x25: {  	[tilespmem:s18], [sflag:$0x4] =	stream.indirect.gather [hbm4b:s4+s14], $0x30, s25, s14, $0xb8;
	[tilespmem:$0x122F0] =	vst v63  }
0x26: {  	_ =	swait.ge [sflag:s19], $0x1770  }
0x27: {  	[sflag:s19] =	ssyncset.done $0x0  }
0x28: {  	s26 =	simm.s32 $0x2800;
	[sflag:s19] =	ssyncadd.s32 $0xFFFFE890  }
0x29: {  	[spmem:s2] =	stream.indirect.scatter.add.f32 [tilespmem:s15], [sflag:$0x5], $0x30, s26, s14, $0xb8;
	[tilespmem:$0x122F0] =	vst v63  }
0x2a: {  	_ =	swait.ge [sflag:s12], $0x1770  }
0x2b: {  	[sflag:s12] =	ssyncset.done $0x0  }
0x2c: {  	[sflag:s12] =	ssyncadd.s32 $0xFFFFE890  }
0x2d: {  	_ =	swait.ge [sflag:s20], $0x1770  }
0x2e: {  	[sflag:s20] =	ssyncset.done $0x0  }
0x2f: {  	s29 =	simm.s32 $0x2880;
	[sflag:s20] =	ssyncadd.s32 $0xFFFFE890  }
0x30: {  	[spmem:s2] =	stream.indirect.scatter.add.f32 [tilespmem:s16], [sflag:$0x5], $0x30, s29, s14, $0xb8;
	[tilespmem:$0x122F0] =	vst v63  }
0x31: {  	_ =	swait.ge [sflag:s12], $0x1770  }
0x32: {  	[sflag:s12] =	ssyncset.done $0x0  }
0x33: {  	[sflag:s12] =	ssyncadd.s32 $0xFFFFE890  }
0x34: {  	_ =	swait.ge [sflag:s21], $0x1770  }
0x35: {  	[sflag:s21] =	ssyncset.done $0x0  }
0x36: {  	s30 =	simm.s32 $0x2900;
	[sflag:s21] =	ssyncadd.s32 $0xFFFFE890  }
0x37: {  	[spmem:s2] =	stream.indirect.scatter.add.f32 [tilespmem:s17], [sflag:$0x5], $0x30, s30, s14, $0xb8;
	[tilespmem:$0x122F0] =	vst v63  }
0x38: {  	_ =	swait.ge [sflag:s12], $0x1770  }
0x39: {  	[sflag:s12] =	ssyncset.done $0x0  }
0x3a: {  	[sflag:s12] =	ssyncadd.s32 $0xFFFFE890  }
0x3b: {  	_ =	swait.ge [sflag:s22], $0x1770  }
0x3c: {  	[sflag:s22] =	ssyncset.done $0x0  }
0x3d: {  	s31 =	simm.s32 $0x2980;
	[sflag:s22] =	ssyncadd.s32 $0xFFFFE890  }
0x3e: {  	[spmem:s2] =	stream.indirect.scatter.add.f32 [tilespmem:s18], [sflag:$0x5], $0x30, s31, s14, $0xb8;
	[tilespmem:$0x122F0] =	vst v63  }
0x3f: {  	_ =	swait.ge [sflag:s12], $0x1770  }
0x40: {  	s28 =	simm.s32 $0x1000;
	s24 =	simm.s32 $0x800;
	[sflag:s12] =	ssyncset.done $0x0  }
.LBB2_2:
0x41: {  	s26 =	sshra.s32 s24, $0x2  }
0x42: {  	[sflag:s12] =	ssyncadd.s32 $0xFFFFE890;
	s24 =	smov.u32 s28;
	s25 =	sadd.s32 $0x800, s28  }
0x43: {  	[tilespmem:s15], [sflag:$0x1] =	stream.indirect.gather [hbm4b:s4+s14], $0x30, s26, s14, $0xb8;
	[tilespmem:$0x122F0] =	vst v63  }
0x44: {  	p0 =	sne.s32 s28, $0x9800;
	s28 =	sadd.s32 $0x80, s26  }
0x45: {  	[tilespmem:s16], [sflag:$0x2] =	stream.indirect.gather [hbm4b:s4+s14], $0x30, s28, s14, $0xb8;
	[tilespmem:$0x122F0] =	vst v63  }
0x46: {  	s28 =	sadd.s32 $0x100, s26  }
0x47: {  	[tilespmem:s17], [sflag:$0x3] =	stream.indirect.gather [hbm4b:s4+s14], $0x30, s28, s14, $0xb8;
	[tilespmem:$0x122F0] =	vst v63  }
0x48: {  	s28 =	sadd.s32 $0x180, s26  }
0x49: {  	[tilespmem:s18], [sflag:$0x4] =	stream.indirect.gather [hbm4b:s4+s14], $0x30, s28, s14, $0xb8;
	[tilespmem:$0x122F0] =	vst v63  }
0x4a: {  	_ =	swait.ge [sflag:s19], $0x1770  }
0x4b: {  	[sflag:s19] =	ssyncset.done $0x0  }
0x4c: {  	s28 =	sadd.s32 $0x2800, s26;
	[sflag:s19] =	ssyncadd.s32 $0xFFFFE890  }
0x4d: {  	[spmem:s2] =	stream.indirect.scatter.add.f32 [tilespmem:s15], [sflag:$0x5], $0x30, s28, s14, $0xb8;
	[tilespmem:$0x122F0] =	vst v63  }
0x4e: {  	_ =	swait.ge [sflag:s12], $0x1770  }
0x4f: {  	[sflag:s12] =	ssyncset.done $0x0  }
0x50: {  	[sflag:s12] =	ssyncadd.s32 $0xFFFFE890  }
0x51: {  	_ =	swait.ge [sflag:s20], $0x1770  }
0x52: {  	[sflag:s20] =	ssyncset.done $0x0  }
0x53: {  	s28 =	sadd.s32 $0x2880, s26;
	[sflag:s20] =	ssyncadd.s32 $0xFFFFE890  }
0x54: {  	[spmem:s2] =	stream.indirect.scatter.add.f32 [tilespmem:s16], [sflag:$0x5], $0x30, s28, s14, $0xb8;
	[tilespmem:$0x122F0] =	vst v63  }
0x55: {  	_ =	swait.ge [sflag:s12], $0x1770  }
0x56: {  	[sflag:s12] =	ssyncset.done $0x0  }
0x57: {  	[sflag:s12] =	ssyncadd.s32 $0xFFFFE890  }
0x58: {  	_ =	swait.ge [sflag:s21], $0x1770  }
0x59: {  	[sflag:s21] =	ssyncset.done $0x0  }
0x5a: {  	s28 =	sadd.s32 $0x2900, s26;
	[sflag:s21] =	ssyncadd.s32 $0xFFFFE890  }
0x5b: {  	[spmem:s2] =	stream.indirect.scatter.add.f32 [tilespmem:s17], [sflag:$0x5], $0x30, s28, s14, $0xb8;
	[tilespmem:$0x122F0] =	vst v63  }
0x5c: {  	_ =	swait.ge [sflag:s12], $0x1770  }
0x5d: {  	[sflag:s12] =	ssyncset.done $0x0  }
0x5e: {  	[sflag:s12] =	ssyncadd.s32 $0xFFFFE890  }
0x5f: {  	_ =	swait.ge [sflag:s22], $0x1770  }
.Ltmp0:
0x60: {  	[sflag:s22] =	ssyncset.done $0x0;
	(pc) =	sbr.rel @p0 .LBB2_2-.Ltmp0, $4  }
0x61: {  	s26 =	sadd.s32 $0x2980, s26;
	[sflag:s22] =	ssyncadd.s32 $0xFFFFE890  }
0x62: {  	[spmem:s2] =	stream.indirect.scatter.add.f32 [tilespmem:s18], [sflag:$0x5], $0x30, s26, s14, $0xb8;
	[tilespmem:$0x122F0] =	vst v63  }
0x63: {  	_ =	swait.ge [sflag:s12], $0x1770  }
0x64: {  	s28 =	smov.u32 s25;
	[sflag:s12] =	ssyncset.done $0x0  }
0x65: {  	s24 =	sshra.s32 s24, $0x2;
	[sflag:s12] =	ssyncadd.s32 $0xFFFFE890  }
0x66: {  	[tilespmem:s15], [sflag:$0x1] =	stream.indirect.gather [hbm4b:s4+s14], $0x30, s24, s14, $0xb8;
	[tilespmem:$0x122F0] =	vst v63  }
0x67: {  	s25 =	sadd.s32 $0x80, s24  }
0x68: {  	[tilespmem:s16], [sflag:$0x2] =	stream.indirect.gather [hbm4b:s4+s14], $0x30, s25, s14, $0xb8;
	[tilespmem:$0x122F0] =	vst v63  }
0x69: {  	s26 =	sadd.s32 $0x100, s24  }
0x6a: {  	[tilespmem:s17], [sflag:$0x3] =	stream.indirect.gather [hbm4b:s4+s14], $0x30, s26, s14, $0xb8;
	[tilespmem:$0x122F0] =	vst v63  }
0x6b: {  	s28 =	sadd.s32 $0x180, s24  }
0x6c: {  	[tilespmem:s18], [sflag:$0x4] =	stream.indirect.gather [hbm4b:s4+s14], $0x30, s28, s14, $0xb8;
	[tilespmem:$0x122F0] =	vst v63  }
0x6d: {  	_ =	swait.ge [sflag:s19], $0x1770  }
0x6e: {  	[sflag:s19] =	ssyncset.done $0x0  }
0x6f: {  	s29 =	sadd.s32 $0x2800, s24;
	[sflag:s19] =	ssyncadd.s32 $0xFFFFE890  }
0x70: {  	[spmem:s2] =	stream.indirect.scatter.add.f32 [tilespmem:s15], [sflag:$0x5], $0x30, s29, s14, $0xb8;
	[tilespmem:$0x122F0] =	vst v63  }
0x71: {  	_ =	swait.ge [sflag:s12], $0x1770  }
0x72: {  	[sflag:s12] =	ssyncset.done $0x0  }
0x73: {  	[sflag:s12] =	ssyncadd.s32 $0xFFFFE890  }
0x74: {  	_ =	swait.ge [sflag:s20], $0x1770  }
0x75: {  	[sflag:s20] =	ssyncset.done $0x0  }
0x76: {  	s30 =	sadd.s32 $0x2880, s24;
	[sflag:s20] =	ssyncadd.s32 $0xFFFFE890  }
0x77: {  	[spmem:s2] =	stream.indirect.scatter.add.f32 [tilespmem:s16], [sflag:$0x5], $0x30, s30, s14, $0xb8;
	[tilespmem:$0x122F0] =	vst v63  }
0x78: {  	_ =	swait.ge [sflag:s12], $0x1770  }
0x79: {  	[sflag:s12] =	ssyncset.done $0x0  }
0x7a: {  	[sflag:s12] =	ssyncadd.s32 $0xFFFFE890  }
0x7b: {  	_ =	swait.ge [sflag:s21], $0x1770  }
0x7c: {  	[sflag:s21] =	ssyncset.done $0x0  }
0x7d: {  	s31 =	sadd.s32 $0x2900, s24;
	[sflag:s21] =	ssyncadd.s32 $0xFFFFE890  }
0x7e: {  	[spmem:s2] =	stream.indirect.scatter.add.f32 [tilespmem:s17], [sflag:$0x5], $0x30, s31, s14, $0xb8;
	[tilespmem:$0x122F0] =	vst v63  }
0x7f: {  	_ =	swait.ge [sflag:s12], $0x1770  }
0x80: {  	[sflag:s12] =	ssyncset.done $0x0  }
0x81: {  	[sflag:s12] =	ssyncadd.s32 $0xFFFFE890  }
0x82: {  	_ =	swait.ge [sflag:s22], $0x1770  }
0x83: {  	[sflag:s22] =	ssyncset.done $0x0  }
0x84: {  	s24 =	sadd.s32 $0x2980, s24;
	[sflag:s22] =	ssyncadd.s32 $0xFFFFE890  }
0x85: {  	[spmem:s2] =	stream.indirect.scatter.add.f32 [tilespmem:s18], [sflag:$0x5], $0x30, s24, s14, $0xb8;
	[tilespmem:$0x122F0] =	vst v63  }
0x86: {  	_ =	swait.ge [sflag:s12], $0x1770  }
0x87: {  	s23 =	sadd.s32 $0x1, s23;
	[sflag:s12] =	ssyncset.done $0x0  }
0x88: {  	p0 =	sne.s32 s23, s10;
	[sflag:s12] =	ssyncadd.s32 $0xFFFFE890  }
.Ltmp1:
0x89: {  	[bflag:$0x0] =	sbarrier.arrive $0xFFFF;
	(pc) =	sbr.rel @p0 .LBB2_1-.Ltmp1, $4  }
0x8a: {  	[hbm:s9], [sflag:s6] =	dma.local [spmem:s11], $0xEA6  }
0x8b: {  	_ =	swait.ge [sflag:s12], $0xEA6  }
0x8c: {  	[sflag:s12] =	ssyncset.done $0x0  }
0x8d: {  	[sflag:s12] =	ssyncadd.s32 $0xFFFFF15A  }
0x8e: {  	_ =	sfence.sel $0x180000  }
0x8f: {  	[bflag:$0x0] =	sbarrier.arrive $0xFFFF  }
0x90: {  	p0 =	sne.s32 s0, $0x0;
	_ =	strace $0x9000004D  }
0x91: {  	s0 =	sadd.s32 @!p0 $0x100000, s1;
	[bflag:$0x2] =	sbarrier.arrive $0xFFFF  }
0x92: {  	[sflag:s0] =	ssyncadd.tile.s32 @!p0 $0x1;
	_ =	shalt  }
.Lfunc_end2:
_tile_overlayer_lowered:
.L_overlay_start_2:
0x93: {  	(tag) =	ssettag $0x2  }
0x94: {  	s0 =	rddreg [dreg:$0x0];
	s2 =	stileid.u32  }
0x95: {  	s1 =	rddreg [dreg:$0x1];
	p0 =	sne.s32 s2, $0x0  }
0x96: {  	s3 =	rddreg [dreg:$0x2];
	[bflag:$0x3] =	sbarrier.arrive $0xFFFF;
	s2 =	simm.s32 @!p0 $0x1C05  }
0x97: {  	[timem:s3], [sflag:s2] =	dma.local @!p0 [hbm:s0], s1  }
0x98: {  	s0 =	simm.s32 @!p0 $0x5  }
0x99: {  	_ =	swait.ge @!p0 [sflag:s0], s1  }
0x9a: {  	s1 =	ssub.s32 @!p0 $0x0, s1;
	[sflag:s0] =	ssyncset.done @!p0 $0x0  }
0x9b: {  	[sflag:s0] =	ssyncadd.s32 @!p0 s1  }
0x9c: {  	[bflag:$0x3] =	sbarrier.arrive $0xFFFF  }
0x9d: {  	_ =	shalt  }

// kernel: kernel.8.cloned.1.call-start
scs
__scs_entry_jumppad:
0x0: {  	(pc) =	sbr.rel $0x88, $3  }
0x1: {  	(tag) =	ssettag $0x0;
	lr =	simm.s32 $0x1  }
0x2: {  	[smem:$0x3F9B] =	sst lr;
	_ =	strace $0xD0000000  }
0x3: {  	_ = 	snop  }
0x4: {  	_ = 	snop  }
0x5: {  	_ = 	snop  }
0x6: {  	_ = 	snop  }
0x7: {  	_ = 	snop  }
__scs_overlays_trampoline_lowered:
0x8: {  	[smem:$0x3FAA] =	sst s0  }
0x9: {  	[smem:$0x3FAB] =	sst s1  }
0xa: {  	[smem:$0x3FAC] =	sst s2  }
0xb: {  	[smem:$0x3FAD] =	sst s3  }
0xc: {  	[smem:$0x3FAE] =	sst s4  }
0xd: {  	[smem:$0x3FAF] =	sst s5  }
0xe: {  	[smem:$0x3FB0] =	sst s6  }
0xf: {  	[smem:$0x3FB1] =	sst s7  }
0x10: {  	[smem:$0x3FB2] =	sst s8  }
0x11: {  	[smem:$0x3FB3] =	sst s9;
	s0 =	simm.s32 @!p0 $0x0  }
0x12: {  	s1 =	sld [smem:$0x3F99];
	s0 =	simm.s32 @p0 $0x1  }
0x13: {  	[smem:$0x3FB4] =	sst s0;
	s0 =	simm.s32 @!p1 $0x0  }
0x14: {  	s2 =	sld [smem:$0x3F98];
	s0 =	simm.s32 @p1 $0x1  }
0x15: {  	[smem:$0x3FB5] =	sst s0;
	s0 =	simm.s32 @!p2 $0x0  }
0x16: {  	s3 =	sld [smem:$0x3FDB];
	s0 =	simm.s32 @p2 $0x1  }
0x17: {  	s4 =	simm.s32 $0x1BF5;
	[smem:$0x3FB7] =	sst s0  }
0x18: {  	s0 =	sld [smem:$0x3F9A];
	_ =	swait.ge [sflag:s4], $0x0  }
0x19: {  	s7 =	sld [smem:$0x3F9B]  }
0x1a: {  	s8 =	sadd.s32 $0xFFFFE003, lr  }
0x1b: {  	s9 =	sadd.s32 $0xFFFFFEF7, lr;
	s5 =	simm.s32 $0xFFFFFFFF;
	p2 =	slt.u32 s8, $0xFFFFF086  }
0x1c: {  	p1 =	slt.u32 s9, $0xF7A;
	s5 =	simm.s32 @!p2 $0x0  }
0x1d: {  	s5 =	simm.s32 @p1 $0x1;
	p0 =	seq.s32 s7, s2  }
0x1e: {  	s7 =	smul.u32 @!p0 $0xF7A, s2;
	p2 =	seq.s32 @!p0 s5, $0x0  }
0x1f: {  	s9 =	smul.u32 $0xF7A, s1;
	s8 =	simm.s32 @!p0 $0x1BF5;
	p2 =	por !p2, p0  }
0x20: {  	[sflag:s8] =	ssyncset.s32 @!p0 $0xFFFFF086;
	s6 =	sadd.s32 @!p0 s3, s7;
	s7 =	simm.s32 @!p0 $0x108  }
0x21: {  	s3 =	sadd.s32 s3, s9;
	s6 =	sadd.s32 @!p0 $0x88, s6;
	s7 =	simm.s32 @p2 $0x1082  }
0x22: {  	[simem:s7], [sflag:s8] =	dma.local @!p0 [hbm:s6], $0xF7A  }
0x23: {  	s9 =	sor.u32 $0xD0000000, s2;
	s6 =	simm.s32 $0x108;
	_ =	swait.ge @!p0 [sflag:s8], $0x0  }
0x24: {  	s3 =	sadd.s32 $0x88, s3;
	s6 =	simm.s32 @!p1 $0x1082;
	[sflag:s4] =	ssyncset.s32 $0xFFFFF086  }
0x25: {  	[simem:s6], [sflag:s4] =	dma.local [hbm:s3], $0xF7A  }
0x26: {  	[smem:$0x3F9B] =	sst s1;
	(tag) =	ssettag s2;
	_ =	strace s9  }
0x27: {  	s1 =	sld [smem:$0x3FAB]  }
0x28: {  	s2 =	sld [smem:$0x3FAC]  }
0x29: {  	s4 =	sld [smem:$0x3FAE]  }
0x2a: {  	p0 =	seq.s32 s5, $0x0;
	s5 =	sld [smem:$0x3FAF]  }
0x2b: {  	s6 =	sld [smem:$0x3FB0]  }
0x2c: {  	s7 =	sld [smem:$0x3FB1]  }
0x2d: {  	s3 =	simm.s32 $0x108;
	s8 =	sld [smem:$0x3FB2]  }
0x2e: {  	s3 =	simm.s32 @!p0 $0x1082;
	s9 =	sld [smem:$0x3FB3]  }
0x2f: {  	lr =	sadd.s32 s0, s3;
	s0 =	sld [smem:$0x3FAA]  }
0x30: {  	s3 =	sld [smem:$0x3FAD]  }
0x31: {  	[smem:$0x3FB6] =	sst s10  }
0x32: {  	s10 =	sld [smem:$0x3FB4];
	_ =	sdelay $0x3  }
0x33: {  	p0 =	seq.s32 s10, $0x1;
	s10 =	sld [smem:$0x3FB6];
	_ =	sdelay $0x3  }
0x34: {  	[smem:$0x3FB6] =	sst s10  }
0x35: {  	s10 =	sld [smem:$0x3FB5];
	_ =	sdelay $0x3  }
0x36: {  	p1 =	seq.s32 s10, $0x1;
	s10 =	sld [smem:$0x3FB6];
	_ =	sdelay $0x3  }
0x37: {  	[smem:$0x3FB6] =	sst s10  }
0x38: {  	s10 =	sld [smem:$0x3FB7]  }
0x39: {  	_ = 	snop;
	(pc) =	sbr.ind lr, $3  }
0x3a: {  	_ = 	snop  }
0x3b: {  	_ = 	snop  }
0x3c: {  	p2 =	seq.s32 s10, $0x1;
	s10 =	sld [smem:$0x3FB6]  }
0x3d: {  	_ =	shalt  }
0x3e: {  	_ =	shalt  }
0x3f: {  	_ =	shalt  }
0x40: {  	_ =	shalt  }
0x41: {  	_ =	shalt  }
0x42: {  	_ =	shalt  }
0x43: {  	_ =	shalt  }
0x44: {  	_ =	shalt  }
0x45: {  	_ =	shalt  }
0x46: {  	_ =	shalt  }
0x47: {  	_ =	shalt  }
0x48: {  	_ =	shalt  }
0x49: {  	_ =	shalt  }
0x4a: {  	_ =	shalt  }
0x4b: {  	_ =	shalt  }
0x4c: {  	_ =	shalt  }
0x4d: {  	_ =	shalt  }
0x4e: {  	_ =	shalt  }
0x4f: {  	_ =	shalt  }
0x50: {  	_ =	shalt  }
0x51: {  	_ =	shalt  }
0x52: {  	_ =	shalt  }
0x53: {  	_ =	shalt  }
0x54: {  	_ =	shalt  }
0x55: {  	_ =	shalt  }
0x56: {  	_ =	shalt  }
0x57: {  	_ =	shalt  }
0x58: {  	_ =	shalt  }
0x59: {  	_ =	shalt  }
0x5a: {  	_ =	shalt  }
0x5b: {  	_ =	shalt  }
0x5c: {  	_ =	shalt  }
0x5d: {  	_ =	shalt  }
0x5e: {  	_ =	shalt  }
0x5f: {  	_ =	shalt  }
0x60: {  	_ =	shalt  }
0x61: {  	_ =	shalt  }
0x62: {  	_ =	shalt  }
0x63: {  	_ =	shalt  }
0x64: {  	_ =	shalt  }
0x65: {  	_ =	shalt  }
0x66: {  	_ =	shalt  }
0x67: {  	_ =	shalt  }
0x68: {  	_ =	shalt  }
0x69: {  	_ =	shalt  }
0x6a: {  	_ =	shalt  }
0x6b: {  	_ =	shalt  }
0x6c: {  	_ =	shalt  }
0x6d: {  	_ =	shalt  }
0x6e: {  	_ =	shalt  }
0x6f: {  	_ =	shalt  }
0x70: {  	_ =	shalt  }
0x71: {  	_ =	shalt  }
0x72: {  	_ =	shalt  }
0x73: {  	_ =	shalt  }
0x74: {  	_ =	shalt  }
0x75: {  	_ =	shalt  }
0x76: {  	_ =	shalt  }
0x77: {  	_ =	shalt  }
0x78: {  	_ =	shalt  }
0x79: {  	_ =	shalt  }
0x7a: {  	_ =	shalt  }
0x7b: {  	_ =	shalt  }
0x7c: {  	_ =	shalt  }
0x7d: {  	_ =	shalt  }
0x7e: {  	_ =	shalt  }
0x7f: {  	_ =	shalt  }
0x80: {  	_ =	shalt  }
0x81: {  	_ =	shalt  }
0x82: {  	_ =	shalt  }
0x83: {  	_ =	shalt  }
0x84: {  	_ =	shalt  }
0x85: {  	_ =	shalt  }
0x86: {  	_ =	shalt  }
0x87: {  	_ =	shalt  }
.Lfunc_end0:
.L_simem_size_0:
called_computation_lowered:
.L_overlay_start_0:
0x88: {  	s2 =	sld [smem:$0x3FD9]  }
0x89: {  	s3 =	sld [smem:$0x3FFE];
	_ =	sdelay $0x1  }
0x8a: {  	s1 =	srdreg.scid  }
0x8b: {  	s0 =	sand.u32 $0x1, s1  }
0x8c: {  	s14 =	sshll.u32 s0, $0xA;
	s2 =	sadd.s32 s3, s2  }
0x8d: {  	s2 =	sadd.s32 s2, s14  }
0x8e: {  	[smem:$0x3FC2] =	sst s2  }
0x8f: {  	_ = 	snop  }
0x90: {  	s2 =	sld [smem:$0x3FD0];
	_ =	sdelay $0x2  }
0x91: {  	s15 =	simm.s32 $0xA;
	s4 =	simm.s32 $0x10  }
0x92: {  	[smem:s4], [sflag:s15] =	dma.local [hbm:s2], $0x1  }
0x93: {  	_ =	swait.eq [sflag:s15], $0x1  }
0x94: {  	[sflag:s15] =	ssyncset.done $0x0  }
0x95: {  	[sflag:s15] =	ssyncadd.s32 $0xFFFFFFFF  }
0x96: {  	s16 =	sld [smem:$0x10];
	(tm) =	ssettm $0x1  }
0x97: {  	s17 =	sld [smem:$0x3FFB];
	_ =	sdelay $0x3  }
0x98: {  	_ =	strace s17  }
0x99: {  	s3 =	sld [smem:$0x3FFC];
	_ =	sdelay $0x3  }
0x9a: {  	_ =	strace s3  }
0x9b: {  	s3 =	sld [smem:$0x3FFD];
	_ =	sdelay $0x3  }
0x9c: {  	_ =	strace s3  }
0x9d: {  	_ =	strace $0x8FFFFFFF  }
0x9e: {  	s18 =	sld [smem:$0x3FDB];
	_ =	sdelay $0x1  }
0x9f: {  	s19 =	simm.s32 $_scs_section_size  }
0xa0: {  	s5 =	simm.s32 $_size__tile_overlayer_lowered;
	s6 =	simm.s32 $_tile_overlayer_lowered  }
0xa1: {  	s22 =	simm.s32 $0x1BFF;
	s21 =	sshll.u32 s6, $0x1;
	s3 =	sadd.s32 s19, s18  }
0xa2: {  	s7 =	simm.s32 $0x0;
	s20 =	sshll.u32 s5, $0x1;
	s5 =	sadd.s32 s21, s3  }
0xa3: {  	[timem:s7], [sflag:s22] =	dma.local [hbm:s5], s20  }
0xa4: {  	_ =	swait.ge [sflag:s22], s20  }
0xa5: {  	s4 =	ssub.s32 $0x0, s20;
	[sflag:s22] =	ssyncset.done $0x0  }
0xa6: {  	[sflag:s22] =	ssyncadd.s32 s4;
	_ =	sdelay $0x1  }
0xa7: {  	s23 =	simm.s32 $0x1B8B  }
0xa8: {  	_ =	swait.ge [sflag:s23], $0x1  }
0xa9: {  	[sflag:s23] =	ssyncset.done $0x0  }
0xaa: {  	s25 =	simm.s32 $0x1B8E;
	s24 =	sld [smem:$0x3FFE];
	[sflag:s23] =	ssyncadd.s32 $0xFFFFFFFF  }
0xab: {  	s26 =	simm.s32 $execute0_lowered;
	[smem:$0x3FD2] =	sst s25  }
0xac: {  	s5 =	sshll.u32 s26, $0x1;
	_ =	strace $0x80000046;
	[dreg:$0x1] =	wrdreg $0xFFFFFFFF  }
0xad: {  	s28 =	simm.s32 $_size_execute0_lowered;
	s3 =	sadd.s32 s3, s5;
	[dreg:$0x0] =	wrdreg $0x0  }
0xae: {  	s5 =	sshll.u32 s28, $0x1;
	[dreg:$0x2] =	wrdreg s3  }
0xaf: {  	[dreg:$0x3] =	wrdreg s5  }
0xb0: {  	[dreg:$0x4] =	wrdreg $0xC0  }
0xb1: {  	_ =	task [dreg:s7], $0x5FFFF  }
0xb2: {  	[dreg:$0x1] =	wrdreg $0xFFFFFFFF  }
0xb3: {  	[dreg:$0x0] =	wrdreg $0x60  }
0xb4: {  	[dreg:$0x2] =	wrdreg s24  }
0xb5: {  	[dreg:$0x3] =	wrdreg s16  }
0xb6: {  	[dreg:$0x4] =	wrdreg $0x2FD00  }
0xb7: {  	[dreg:$0x5] =	wrdreg $0x9  }
0xb8: {  	_ =	task.clear_ibuf [dreg:s7], $0x6FFFF;
	_ =	strace $0x90000046  }
0xb9: {  	s29 =	simm.s32 $0x9;
	_ =	strace $0x80000048  }
0xba: {  	_ =	swait.ge [sflag:s29], $0x1  }
0xbb: {  	[sflag:s29] =	ssyncadd.s32 $0xFFFFFFFF  }
0xbc: {  	_ =	strace $0x90000048  }
0xbd: {  	_ =	sfence  }
0xbe: {  	s30 =	sld [smem:$0x0];
	_ =	sdelay $0x2  }
0xbf: {  	s31 =	sshll.u32 s1, $0xD;
	s1 =	sshrl.u32 s1, $0x2  }
0xc0: {  	s3 =	sand.u32 $0x4000, s31;
	s1 =	sadd.s32 s1, s30  }
0xc1: {  	s0 =	sor.u32 s3, s0;
	s1 =	sshll.u32 s1, $0x11  }
0xc2: {  	s0 =	sor.u32 s1, s0  }
0xc3: {  	s0 =	sadd.s32 $0x8F2B, s0  }
0xc4: {  	[sflag:s0] =	ssyncadd.remote.s32 $0x1  }
0xc5: {  	_ =	sfence.sel $0xFFFF  }
0xc6: {  	[dreg:$0x0] =	wrdreg $0xFFFFFFFF;
	(pc) =	sbr.abs _section_cstart, $3  }
0xc7: {  	[dreg:$0x1] =	wrdreg $0xFFFFFFFF  }
0xc8: {  	_ =	task.clear_ibuf [dreg:s7], $0x2FFFF;
	_ =	strace $0x9FFFFFFF  }
0xc9: {  	(tm) =	ssettm $0x7FFFFFFF  }
tec
execute0_lowered:
.L_overlay_start_1:
0x0: {  	(tag) =	ssettag $0x1  }
0x1: {  	s5 =	rddreg [dreg:$0x0]  }
0x2: {  	s0 =	srdreg.scid;
	s8 =	rddreg [dreg:$0x1]  }
0x3: {  	s2 =	rddreg [dreg:$0x2];
	s6 =	sand.u32 $0x1, s0;
	s0 =	stileid.u32  }
0x4: {  	s3 =	simm.s32 $0x0;
	s14 =	simm.s32 $0x0;
	s9 =	smul.u32 $0x2710, s0  }
0x5: {  	[smem:$0x7FF] =	sst s3;
	s1 =	sshll.u32 s6, $0x4;
	s11 =	smul.u32 $0x4E2, s0  }
0x6: {  	s10 =	ssub.s32 $0x2, s6;
	s6 =	smul.u32 $0x4E20, s6;
	s31 =	sshll.u32 s0, $0x6  }
0x7: {  	s4 =	sor.u32 s0, s1;
	s1 =	rddreg [dreg:$0x3];
	_ =	strace $0x80000047  }
0x8: {  	s13 =	sshrl.u32 s10, $0x1;
	s4 =	smul.u32 $0x500, s4;
	s12 =	sshrl.u32 s9, $0x3  }
0x9: {  	s10 =	ssub.s32 s10, s13;
	s30 =	sadd.s32 s9, s2;
	s11 =	sadd.s32 s11, s6  }
0xa: {  	s6 =	sor.u32 $0x1C01, s31;
	s13 =	simm.s32 $0x7D;
	s8 =	sadd.s32 s8, s11  }
0xb: {  	s9 =	smax.u32 s10, $0x1;
	s10 =	sshrl.u32 s30, $0x3;
	s11 =	simm.s32 $0x1  }
0xc: {  	s7 =	sadd.s32 s4, s5;
	s4 =	sadd.s32 $0x10E00, s5;
	s5 =	sadd.s32 s12, s5  }
0xd: {  	s12 =	simm.s32 $0x2800;
	s5 =	sadd.s32 $0xBE00, s5;
	s7 =	sadd.s32 $0x1E00, s7  }
.LBB2_1:
0xe: {  	[spmem:s10], [sflag:s6] =	dma.local [hbm:s5], $0x4E2  }
0xf: {  	_ =	swait.ge [sflag:s11], $0x4E2  }
0x10: {  	[sflag:s11] =	ssyncset.done $0x0  }
0x11: {  	[sflag:s11] =	ssyncadd.s32 $0xFFFFFB1E  }
0x12: {  	[tilespmem:s12], [sflag:$0x1] =	stream.linear.gather [hbm4b:s4+s3], $0x7D0, $0x38;
	[tilespmem:$0x56E0] =	vst v63  }
0x13: {  	_ =	swait.ge [sflag:s11], $0x7D0  }
0x14: {  	[sflag:s11] =	ssyncset.done $0x0  }
0x15: {  	[sflag:s11] =	ssyncadd.s32 $0xFFFFF830  }
0x16: {  	[tilespmem:s3], [sflag:$0x1] =	stream.linear.gather [hbm4b:s7+s3], $0x2800, $0x38;
	[tilespmem:$0x56E0] =	vst v63  }
0x17: {  	_ =	swait.ge [sflag:s11], $0x2800  }
0x18: {  	[sflag:s11] =	ssyncset.done $0x0  }
0x19: {  	[sflag:s11] =	ssyncadd.s32 $0xFFFFD800  }
0x1a: {  	s15 =	simm.s32 $0x0;
	[bflag:$0x0] =	sbarrier.arrive $0xFFFF  }
0x1b: {  	[spmem:s2] =	stream.indirect.scatter.add.f32 [tilespmem:s12], [sflag:$0x1], $0x10, s15, s13, $0xb8;
	[tilespmem:$0x56E0] =	vst v63  }
0x1c: {  	_ =	swait.ge [sflag:s11], $0x7D0  }
0x1d: {  	s15 =	simm.s32 $0x200;
	[sflag:s11] =	ssyncset.done $0x0  }
.LBB2_2:
0x1e: {  	s16 =	sshra.s32 s15, $0x2;
	[sflag:s11] =	ssyncadd.s32 $0xFFFFF830;
	p0 =	sne.s32 s15, $0x9E00  }
0x1f: {  	[spmem:s2] =	stream.indirect.scatter.add.f32 [tilespmem:s12], [sflag:$0x1], $0x10, s16, s13, $0xb8;
	[tilespmem:$0x56E0] =	vst v63  }
.Ltmp0:
0x20: {  	_ = 	snop;
	(pc) =	sbr.rel @p0 .LBB2_2-.Ltmp0, $4  }
0x21: {  	_ = 	snop  }
0x22: {  	s15 =	sadd.s32 $0x200, s15  }
0x23: {  	_ =	swait.ge [sflag:s11], $0x7D0  }
0x24: {  	[sflag:s11] =	ssyncset.done $0x0  }
0x25: {  	s14 =	sadd.s32 $0x1, s14  }
0x26: {  	[sflag:s11] =	ssyncadd.s32 $0xFFFFF830;
	p0 =	sne.s32 s14, s9  }
.Ltmp1:
0x27: {  	[bflag:$0x0] =	sbarrier.arrive $0xFFFF;
	(pc) =	sbr.rel @p0 .LBB2_1-.Ltmp1, $4  }
0x28: {  	[hbm:s8], [sflag:s6] =	dma.local [spmem:s10], $0x4E2  }
0x29: {  	_ =	swait.ge [sflag:s11], $0x4E2  }
0x2a: {  	[sflag:s11] =	ssyncset.done $0x0  }
0x2b: {  	[sflag:s11] =	ssyncadd.s32 $0xFFFFFB1E  }
0x2c: {  	_ =	sfence.sel $0x180000  }
0x2d: {  	[bflag:$0x0] =	sbarrier.arrive $0xFFFF  }
0x2e: {  	p0 =	sne.s32 s0, $0x0;
	_ =	strace $0x90000047  }
0x2f: {  	s0 =	sadd.s32 @!p0 $0x100000, s1;
	[bflag:$0x2] =	sbarrier.arrive $0xFFFF  }
0x30: {  	[sflag:s0] =	ssyncadd.tile.s32 @!p0 $0x1;
	_ =	shalt  }
.Lfunc_end2:
_tile_overlayer_lowered:
.L_overlay_start_2:
0x31: {  	(tag) =	ssettag $0x2  }
0x32: {  	s0 =	rddreg [dreg:$0x0];
	s2 =	stileid.u32  }
0x33: {  	s1 =	rddreg [dreg:$0x1];
	p0 =	sne.s32 s2, $0x0  }
0x34: {  	s3 =	rddreg [dreg:$0x2];
	[bflag:$0x3] =	sbarrier.arrive $0xFFFF;
	s2 =	simm.s32 @!p0 $0x1C01  }
0x35: {  	[timem:s3], [sflag:s2] =	dma.local @!p0 [hbm:s0], s1  }
0x36: {  	s0 =	simm.s32 @!p0 $0x1  }
0x37: {  	_ =	swait.ge @!p0 [sflag:s0], s1  }
0x38: {  	s1 =	ssub.s32 @!p0 $0x0, s1;
	[sflag:s0] =	ssyncset.done @!p0 $0x0  }
0x39: {  	[sflag:s0] =	ssyncadd.s32 @!p0 s1  }
0x3a: {  	[bflag:$0x3] =	sbarrier.arrive $0xFFFF  }
0x3b: {  	_ =	shalt  }

</sc_bundles>
